<compile_context>
chip_gen: v7x
topology: tpu7x:2x2x1
jax: 0.10.2.dev20260603
libtpu: 0.0.44.dev20260713+nightly
codegen_flags: <defaults>
</compile_context>

<pallas_src>
import functools

import jax
import jax.numpy as jnp
from jax import lax
from jax.experimental import pallas as pl
from jax.experimental.pallas import tpu as pltpu
from jax.experimental.pallas import tpu_sc as plsc

N = 4096
E = 262144
NC, NS, L = 2, 16, 16
NW = NC * NS
EPW = E // NW
GW = 512
NCH = EPW // GW
VPC = GW // L
ECH = EPW // 128


def _sc_segment_partials(xflat, adj, edges3):
  mesh = plsc.VectorSubcoreMesh(
      core_axis_name="c", subcore_axis_name="s", num_cores=NC,
      num_subcores=NS)

  @functools.partial(
      pl.kernel,
      out_type=jax.ShapeDtypeStruct((NW, N), jnp.float32),
      mesh=mesh,
      compiler_params=pltpu.CompilerParams(needs_layout_passes=False),
      scratch_types=[
          pltpu.VMEM((ECH, 2, 128), jnp.int32),
          pltpu.VMEM((EPW,), jnp.float32),
          pltpu.VMEM((EPW,), jnp.int32),
          pltpu.VMEM((EPW,), jnp.float32),
          pltpu.VMEM((N,), jnp.float32),
          pltpu.SemaphoreType.DMA,
          pltpu.SemaphoreType.DMA,
          pltpu.SemaphoreType.DMA,
          pltpu.SemaphoreType.DMA,
          pltpu.SemaphoreType.DMA,
      ],
  )
  def body(xflat_h, adj_h, edges_h, out_h,
           edges_v, adj_v, idx_v, gath_v, acc_v, sem_in, *sem_w):
    wid = lax.axis_index("s") * NC + lax.axis_index("c")
    cp_e = pltpu.async_copy(edges_h.at[pl.ds(wid * ECH, ECH)], edges_v,
                            sem_in)
    cp_a = pltpu.async_copy(adj_h.at[pl.ds(wid * EPW, EPW)], adj_v, sem_in)

    def zero(i, carry):
      for k in range(4):
        acc_v[pl.ds(i * 4 * L + k * L, L)] = jnp.zeros((L,), jnp.float32)
      return carry
    lax.fori_loop(0, N // (4 * L), zero, 0)

    cp_e.wait()
    cp_a.wait()

    def idx_step(i, carry):
      t = i >> 3
      kofs = (i & 7) * L
      r = edges_v[t, 0, pl.ds(kofs, L)]
      c = edges_v[t, 1, pl.ds(kofs, L)]
      idx_v[pl.ds(i * L, L)] = (
          ((r + ((r >> 3) * 248)) << 7) + (c + ((c >> 7) * 896)))
      return carry

    NWAVE = len(sem_w)
    CPW = NCH // NWAVE
    gathers = []
    for j in range(NCH):
      lax.fori_loop(j * VPC, (j + 1) * VPC, idx_step, 0)
      s = pl.ds(j * GW, GW)
      gathers.append(pltpu.async_copy(
          xflat_h.at[idx_v.at[s]], gath_v.at[s], sem_w[j // CPW]))

    def scat_step(i, carry):
      t = i >> 3
      kofs = (i & 7) * L
      s = pl.ds(i * L, L)
      r = edges_v[t, 0, pl.ds(kofs, L)]
      plsc.addupdate_scatter(acc_v, [r], gath_v[s] * adj_v[s])
      return carry

    WVREGS = CPW * VPC
    for w in range(NWAVE):
      for cp in gathers[w * CPW:(w + 1) * CPW]:
        cp.wait()
      lax.fori_loop(w * WVREGS, (w + 1) * WVREGS, scat_step, 0)

    pltpu.sync_copy(acc_v, out_h.at[wid])

  return body(xflat, adj, edges3)


def _tc_combine_softmax(partials):
  def body(p_ref, araw_ref, alpha_ref):
    a = jnp.sum(p_ref[...], axis=0, keepdims=True)
    araw_ref[...] = a
    m = jnp.max(a)
    e = jnp.exp(a - m)
    alpha_ref[...] = e / jnp.sum(e)

  araw, alpha = pl.pallas_call(
      body,
      out_shape=(jax.ShapeDtypeStruct((1, N), jnp.float32),
                 jax.ShapeDtypeStruct((1, N), jnp.float32)),
  )(partials)
  return araw, alpha


def kernel(data_input, adj_values, edge_index):
  xflat = (data_input.reshape(N // 8, 8, N // 128, 128)
           .swapaxes(1, 2).reshape(N * N))
  edges3 = (edge_index.reshape(2, E // 128, 128).swapaxes(0, 1))
  partials = _sc_segment_partials(xflat, adj_values, edges3)
  araw, alpha = _tc_combine_softmax(partials)
  return alpha.reshape(N), araw.reshape(N)

# --- scband reference (transcript-rebuilt; emitter-appended) ---
"""Pipeline reference for scband-neighbor-aggregator-26920855011666 (READ-ONLY COPY).

The authoritative reference and input builder live on the scoring server;
editing this copy changes nothing except your own understanding.
"""

import jax, jax.numpy as jnp
import numpy as np

N = 4096
E = 262144

def setup_inputs(seed: int = 0) -> dict:
    key = jax.random.key(seed)
    k1, k2, k3 = jax.random.split(key, 3)
    data_input = jax.random.normal(k1, (1, N, N), dtype=jnp.float32)
    edge_index = jax.random.randint(k2, (2, E), 0, N, dtype=jnp.int32)
    adj_values = jax.random.uniform(k3, (E,), dtype=jnp.float32)
    return {"data_input": data_input, "adj_values": adj_values, "edge_index": edge_index}

def reference(data_input, adj_values, edge_index):
    # data_input: [1, N, N] dense attention matrix; adjacency is sparse COO
    # (edge_index rows/cols + adj_values), matching torch.sparse semantics.
    x = jnp.squeeze(data_input, axis=0)  # [N, N]
    row = edge_index[0]
    col = edge_index[1]
    # sparse_data_input = adj_matrix * data_input (elementwise on nnz pattern)
    vals = adj_values * x[row, col]
    # torch.sparse.sum(..., dim=1) -> per-row reduction, then to_dense().flatten()
    A_raw = jax.ops.segment_sum(vals, row, num_segments=x.shape[0])
    alpha = jax.nn.softmax(A_raw, axis=0)
    return (alpha, A_raw)

if __name__ == "__main__":
    import jax
    _d = setup_inputs()
    print(jax.jit(kernel)(*tuple(_d.values())))

</pallas_src>

<mosaic_0001>
#map = affine_map<(d0, d1) -> (0)>
#map1 = affine_map<(d0, d1) -> (0, 0, 0)>
#map2 = affine_map<(d0, d1) -> (0, 0)>
module attributes {stable_mosaic.version = 14 : i64} {
  func.func @body(%arg0: i32, %arg1: i32, %arg2: memref<16777216xf32, #tpu.memory_space<hbm>>, %arg3: memref<262144xf32, #tpu.memory_space<hbm>>, %arg4: memref<2048x2x128xi32, #tpu.memory_space<hbm>>, %arg5: memref<32x4096xf32, #tpu.memory_space<hbm>>, %arg6: memref<64x2x128xi32, #tpu.memory_space<vmem>>, %arg7: memref<8192xf32, #tpu.memory_space<vmem>>, %arg8: memref<8192xi32, #tpu.memory_space<vmem>>, %arg9: memref<8192xf32, #tpu.memory_space<vmem>>, %arg10: memref<4096xf32, #tpu.memory_space<vmem>>, %arg11: memref<!tpu.dma_semaphore, #tpu.memory_space<semaphore_mem>>, %arg12: memref<!tpu.dma_semaphore, #tpu.memory_space<semaphore_mem>>, %arg13: memref<!tpu.dma_semaphore, #tpu.memory_space<semaphore_mem>>, %arg14: memref<!tpu.dma_semaphore, #tpu.memory_space<semaphore_mem>>, %arg15: memref<!tpu.dma_semaphore, #tpu.memory_space<semaphore_mem>>) attributes {dimension_semantics = [#tpu.dimension_semantics<core_parallel>, #tpu.dimension_semantics<subcore_parallel>], iteration_bounds = array<i64: 2, 16>, scalar_prefetch = 0 : i64, scratch_operands = 10 : i64, tpu.core_type = #tpu.core_type<sc_vector_subcore>, window_params = [{transform_indices = #map}, {transform_indices = #map}, {transform_indices = #map1}, {transform_indices = #map2}]} {
    %mul3A = arith.constant 2 : i32
    %mul3A_0 = arith.muli %arg1, %mul3A : i32
    %add3A = arith.addi %mul3A_0, %arg0 : i32
    %mul3A_1 = arith.constant 64 : i32
    %mul3A_2 = arith.muli %add3A, %mul3A_1 : i32
    %dma_start3A = arith.constant 0 : i32
    %dma_start3A_3 = arith.constant 0 : i32
    %dma_start3A_4 = tpu.memref_slice %arg4[%mul3A_2, %dma_start3A, %dma_start3A_3] : memref<2048x2x128xi32, #tpu.memory_space<hbm>> -> memref<64x2x128xi32, #tpu.memory_space<hbm>>
    %dma_start3A_5 = arith.constant 0 : i32
    %dma_start3A_6 = arith.constant 0 : i32
    %dma_start3A_7 = tpu.memref_slice %arg4[%mul3A_2, %dma_start3A_5, %dma_start3A_6] : memref<2048x2x128xi32, #tpu.memory_space<hbm>> -> memref<64x2x128xi32, #tpu.memory_space<hbm>>
    tpu.enqueue_dma source(%dma_start3A_7 : memref<64x2x128xi32, #tpu.memory_space<hbm>>) target(%arg6 : memref<64x2x128xi32, #tpu.memory_space<vmem>>) target_semaphore(%arg11 : memref<!tpu.dma_semaphore, #tpu.memory_space<semaphore_mem>>)
    %mul3A_8 = arith.constant 8192 : i32
    %mul3A_9 = arith.muli %add3A, %mul3A_8 : i32
    %dma_start3A_10 = tpu.memref_slice %arg3[%mul3A_9] : memref<262144xf32, #tpu.memory_space<hbm>> -> memref<8192xf32, #tpu.memory_space<hbm>>
    %dma_start3A_11 = tpu.memref_slice %arg3[%mul3A_9] : memref<262144xf32, #tpu.memory_space<hbm>> -> memref<8192xf32, #tpu.memory_space<hbm>>
    tpu.enqueue_dma source(%dma_start3A_11 : memref<8192xf32, #tpu.memory_space<hbm>>) target(%arg7 : memref<8192xf32, #tpu.memory_space<vmem>>) target_semaphore(%arg11 : memref<!tpu.dma_semaphore, #tpu.memory_space<semaphore_mem>>)
    %scan3A = arith.constant 0 : i32
    %scan3A_12 = arith.constant 0 : i32
    %scan3A_13 = arith.constant 64 : i32
    %scan3A_14 = arith.addi %scan3A_12, %scan3A_13 : i32
    %scan3A_15 = arith.constant 1 : i32
    scf.for %scan3A_336 = %scan3A_12 to %scan3A_14 step %scan3A_15  : i32 {
      %broadcast_in_dim3A = arith.constant 0.000000e+00 : f32
      %broadcast_in_dim3A_337 = vector.broadcast %broadcast_in_dim3A : f32 to vector<16xf32>
      %mul3A_338 = arith.constant 4 : i32
      %mul3A_339 = arith.muli %scan3A_336, %mul3A_338 : i32
      %mul3A_340 = arith.constant 16 : i32
      %mul3A_341 = arith.muli %mul3A_339, %mul3A_340 : i32
      %add3A_342 = arith.constant 0 : i32
      %add3A_343 = arith.addi %mul3A_341, %add3A_342 : i32
      %swap3A = arith.index_cast %add3A_343 : i32 to index
      %swap3A_344 = tpu.vector_load %arg10[%swap3A] {strides = array<i32>} : memref<4096xf32, #tpu.memory_space<vmem>>, vector<16xf32>,
      tpu.vector_store %arg10[%swap3A], %broadcast_in_dim3A_337 {strides = array<i32>} : memref<4096xf32, #tpu.memory_space<vmem>>, vector<16xf32>,
      %broadcast_in_dim3A_345 = arith.constant 0.000000e+00 : f32
      %broadcast_in_dim3A_346 = vector.broadcast %broadcast_in_dim3A_345 : f32 to vector<16xf32>
      %mul3A_347 = arith.constant 4 : i32
      %mul3A_348 = arith.muli %scan3A_336, %mul3A_347 : i32
      %mul3A_349 = arith.constant 16 : i32
      %mul3A_350 = arith.muli %mul3A_348, %mul3A_349 : i32
      %add3A_351 = arith.constant 16 : i32
      %add3A_352 = arith.addi %mul3A_350, %add3A_351 : i32
      %swap3A_353 = arith.index_cast %add3A_352 : i32 to index
      %swap3A_354 = tpu.vector_load %arg10[%swap3A_353] {strides = array<i32>} : memref<4096xf32, #tpu.memory_space<vmem>>, vector<16xf32>,
      tpu.vector_store %arg10[%swap3A_353], %broadcast_in_dim3A_346 {strides = array<i32>} : memref<4096xf32, #tpu.memory_space<vmem>>, vector<16xf32>,
      %broadcast_in_dim3A_355 = arith.constant 0.000000e+00 : f32
      %broadcast_in_dim3A_356 = vector.broadcast %broadcast_in_dim3A_355 : f32 to vector<16xf32>
      %mul3A_357 = arith.constant 4 : i32
      %mul3A_358 = arith.muli %scan3A_336, %mul3A_357 : i32
      %mul3A_359 = arith.constant 16 : i32
      %mul3A_360 = arith.muli %mul3A_358, %mul3A_359 : i32
      %add3A_361 = arith.constant 32 : i32
      %add3A_362 = arith.addi %mul3A_360, %add3A_361 : i32
      %swap3A_363 = arith.index_cast %add3A_362 : i32 to index
      %swap3A_364 = tpu.vector_load %arg10[%swap3A_363] {strides = array<i32>} : memref<4096xf32, #tpu.memory_space<vmem>>, vector<16xf32>,
      tpu.vector_store %arg10[%swap3A_363], %broadcast_in_dim3A_356 {strides = array<i32>} : memref<4096xf32, #tpu.memory_space<vmem>>, vector<16xf32>,
      %broadcast_in_dim3A_365 = arith.constant 0.000000e+00 : f32
      %broadcast_in_dim3A_366 = vector.broadcast %broadcast_in_dim3A_365 : f32 to vector<16xf32>
      %mul3A_367 = arith.constant 4 : i32
      %mul3A_368 = arith.muli %scan3A_336, %mul3A_367 : i32
      %mul3A_369 = arith.constant 16 : i32
      %mul3A_370 = arith.muli %mul3A_368, %mul3A_369 : i32
      %add3A_371 = arith.constant 48 : i32
      %add3A_372 = arith.addi %mul3A_370, %add3A_371 : i32
      %swap3A_373 = arith.index_cast %add3A_372 : i32 to index
      %swap3A_374 = tpu.vector_load %arg10[%swap3A_373] {strides = array<i32>} : memref<4096xf32, #tpu.memory_space<vmem>>, vector<16xf32>,
      tpu.vector_store %arg10[%swap3A_373], %broadcast_in_dim3A_366 {strides = array<i32>} : memref<4096xf32, #tpu.memory_space<vmem>>, vector<16xf32>,
    }
    %scan3A_16 = arith.constant 64 : i32
    %dma_wait3A = arith.constant 0 : i32
    %dma_wait3A_17 = arith.constant 0 : i32
    %dma_wait3A_18 = tpu.memref_slice %arg4[%mul3A_2, %dma_wait3A, %dma_wait3A_17] : memref<2048x2x128xi32, #tpu.memory_space<hbm>> -> memref<64x2x128xi32, #tpu.memory_space<hbm>>
    %dma_wait3A_19 = arith.constant 0 : i32
    %dma_wait3A_20 = arith.constant 0 : i32
    %dma_wait3A_21 = tpu.memref_slice %arg4[%mul3A_2, %dma_wait3A_19, %dma_wait3A_20] : memref<2048x2x128xi32, #tpu.memory_space<hbm>> -> memref<64x2x128xi32, #tpu.memory_space<hbm>>
    tpu.wait_dma2 semaphore(%arg11 : memref<!tpu.dma_semaphore, #tpu.memory_space<semaphore_mem>>) src(%dma_wait3A_21 : memref<64x2x128xi32, #tpu.memory_space<hbm>>) dst(%arg6 : memref<64x2x128xi32, #tpu.memory_space<vmem>>)
    %dma_wait3A_22 = tpu.memref_slice %arg3[%mul3A_9] : memref<262144xf32, #tpu.memory_space<hbm>> -> memref<8192xf32, #tpu.memory_space<hbm>>
    %dma_wait3A_23 = tpu.memref_slice %arg3[%mul3A_9] : memref<262144xf32, #tpu.memory_space<hbm>> -> memref<8192xf32, #tpu.memory_space<hbm>>
    tpu.wait_dma2 semaphore(%arg11 : memref<!tpu.dma_semaphore, #tpu.memory_space<semaphore_mem>>) src(%dma_wait3A_23 : memref<8192xf32, #tpu.memory_space<hbm>>) dst(%arg7 : memref<8192xf32, #tpu.memory_space<vmem>>)
    %scan3A_24 = arith.constant 0 : i32
    %scan3A_25 = arith.constant 0 : i32
    %scan3A_26 = arith.constant 32 : i32
    %scan3A_27 = arith.addi %scan3A_25, %scan3A_26 : i32
    %scan3A_28 = arith.constant 1 : i32
    scf.for %scan3A_336 = %scan3A_25 to %scan3A_27 step %scan3A_28  : i32 {
      %shift_right_arithmetic3A = arith.constant 3 : i32
      %shift_right_arithmetic3A_337 = arith.shrsi %scan3A_336, %shift_right_arithmetic3A : i32
      %and3A = arith.constant 7 : i32
      %and3A_338 = arith.andi %scan3A_336, %and3A : i32
      %mul3A_339 = arith.constant 16 : i32
      %mul3A_340 = arith.muli %and3A_338, %mul3A_339 : i32
      %get3A = arith.constant 0 : i32
      %get3A_341 = arith.index_cast %shift_right_arithmetic3A_337 : i32 to index
      %get3A_342 = arith.index_cast %get3A : i32 to index
      %get3A_343 = arith.index_cast %mul3A_340 : i32 to index
      %get3A_344 = tpu.vector_load %arg6[%get3A_341, %get3A_342, %get3A_343] {strides = array<i32>} : memref<64x2x128xi32, #tpu.memory_space<vmem>>, vector<16xi32>,
      %get3A_345 = arith.constant 1 : i32
      %get3A_346 = arith.index_cast %shift_right_arithmetic3A_337 : i32 to index
      %get3A_347 = arith.index_cast %get3A_345 : i32 to index
      %get3A_348 = arith.index_cast %mul3A_340 : i32 to index
      %get3A_349 = tpu.vector_load %arg6[%get3A_346, %get3A_347, %get3A_348] {strides = array<i32>} : memref<64x2x128xi32, #tpu.memory_space<vmem>>, vector<16xi32>,
      %shift_right_arithmetic3A_350 = arith.constant 3 : i32
      %shift_right_arithmetic3A_351 = vector.broadcast %shift_right_arithmetic3A_350 : i32 to vector<16xi32>
      %shift_right_arithmetic3A_352 = arith.shrsi %get3A_344, %shift_right_arithmetic3A_351 : vector<16xi32>
      %mul3A_353 = arith.constant 248 : i32
      %mul3A_354 = vector.broadcast %mul3A_353 : i32 to vector<16xi32>
      %mul3A_355 = arith.muli %shift_right_arithmetic3A_352, %mul3A_354 : vector<16xi32>
      %add3A_356 = arith.addi %get3A_344, %mul3A_355 : vector<16xi32>
      %shift_left3A = arith.constant 7 : i32
      %shift_left3A_357 = vector.broadcast %shift_left3A : i32 to vector<16xi32>
      %shift_left3A_358 = arith.shli %add3A_356, %shift_left3A_357 : vector<16xi32>
      %shift_right_arithmetic3A_359 = arith.constant 7 : i32
      %shift_right_arithmetic3A_360 = vector.broadcast %shift_right_arithmetic3A_359 : i32 to vector<16xi32>
      %shift_right_arithmetic3A_361 = arith.shrsi %get3A_349, %shift_right_arithmetic3A_360 : vector<16xi32>
      %mul3A_362 = arith.constant 896 : i32
      %mul3A_363 = vector.broadcast %mul3A_362 : i32 to vector<16xi32>
      %mul3A_364 = arith.muli %shift_right_arithmetic3A_361, %mul3A_363 : vector<16xi32>
      %add3A_365 = arith.addi %get3A_349, %mul3A_364 : vector<16xi32>
      %add3A_366 = arith.addi %shift_left3A_358, %add3A_365 : vector<16xi32>
      %mul3A_367 = arith.constant 16 : i32
      %mul3A_368 = arith.muli %scan3A_336, %mul3A_367 : i32
      %swap3A = arith.index_cast %mul3A_368 : i32 to index
      %swap3A_369 = tpu.vector_load %arg8[%swap3A] {strides = array<i32>} : memref<8192xi32, #tpu.memory_space<vmem>>, vector<16xi32>,
      tpu.vector_store %arg8[%swap3A], %add3A_366 {strides = array<i32>} : memref<8192xi32, #tpu.memory_space<vmem>>, vector<16xi32>,
    }
    %scan3A_29 = arith.constant 32 : i32
    %dma_start3A_30 = arith.constant 0 : i32
    %dma_start3A_31 = tpu.memref_slice %arg9[%dma_start3A_30] : memref<8192xf32, #tpu.memory_space<vmem>> -> memref<512xf32, #tpu.memory_space<vmem>>
    %dma_start3A_32 = arith.constant 0 : i32
    %dma_start3A_33 = tpu.memref_slice %arg8[%dma_start3A_32] : memref<8192xi32, #tpu.memory_space<vmem>> -> memref<512xi32, #tpu.memory_space<vmem>>
    %dma_start3A_34 = arith.constant 0 : i32
    %dma_start3A_35 = tpu.memref_slice %arg2[%dma_start3A_34] : memref<16777216xf32, #tpu.memory_space<hbm>> -> memref<16777216xf32, #tpu.memory_space<hbm>>
    tpu.enqueue_indirect_dma source(%dma_start3A_35 : memref<16777216xf32, #tpu.memory_space<hbm>>) target(%dma_start3A_31 : memref<512xf32, #tpu.memory_space<vmem>>) offsets(%dma_start3A_33 : memref<512xi32, #tpu.memory_space<vmem>>) semaphore(%arg12 : memref<!tpu.dma_semaphore, #tpu.memory_space<semaphore_mem>>)
    %scan3A_36 = arith.constant 0 : i32
    %scan3A_37 = arith.constant 32 : i32
    %scan3A_38 = arith.constant 32 : i32
    %scan3A_39 = arith.addi %scan3A_37, %scan3A_38 : i32
    %scan3A_40 = arith.constant 1 : i32
    scf.for %scan3A_336 = %scan3A_37 to %scan3A_39 step %scan3A_40  : i32 {
      %shift_right_arithmetic3A = arith.constant 3 : i32
      %shift_right_arithmetic3A_337 = arith.shrsi %scan3A_336, %shift_right_arithmetic3A : i32
      %and3A = arith.constant 7 : i32
      %and3A_338 = arith.andi %scan3A_336, %and3A : i32
      %mul3A_339 = arith.constant 16 : i32
      %mul3A_340 = arith.muli %and3A_338, %mul3A_339 : i32
      %get3A = arith.constant 0 : i32
      %get3A_341 = arith.index_cast %shift_right_arithmetic3A_337 : i32 to index
      %get3A_342 = arith.index_cast %get3A : i32 to index
      %get3A_343 = arith.index_cast %mul3A_340 : i32 to index
      %get3A_344 = tpu.vector_load %arg6[%get3A_341, %get3A_342, %get3A_343] {strides = array<i32>} : memref<64x2x128xi32, #tpu.memory_space<vmem>>, vector<16xi32>,
      %get3A_345 = arith.constant 1 : i32
      %get3A_346 = arith.index_cast %shift_right_arithmetic3A_337 : i32 to index
      %get3A_347 = arith.index_cast %get3A_345 : i32 to index
      %get3A_348 = arith.index_cast %mul3A_340 : i32 to index
      %get3A_349 = tpu.vector_load %arg6[%get3A_346, %get3A_347, %get3A_348] {strides = array<i32>} : memref<64x2x128xi32, #tpu.memory_space<vmem>>, vector<16xi32>,
      %shift_right_arithmetic3A_350 = arith.constant 3 : i32
      %shift_right_arithmetic3A_351 = vector.broadcast %shift_right_arithmetic3A_350 : i32 to vector<16xi32>
      %shift_right_arithmetic3A_352 = arith.shrsi %get3A_344, %shift_right_arithmetic3A_351 : vector<16xi32>
      %mul3A_353 = arith.constant 248 : i32
      %mul3A_354 = vector.broadcast %mul3A_353 : i32 to vector<16xi32>
      %mul3A_355 = arith.muli %shift_right_arithmetic3A_352, %mul3A_354 : vector<16xi32>
      %add3A_356 = arith.addi %get3A_344, %mul3A_355 : vector<16xi32>
      %shift_left3A = arith.constant 7 : i32
      %shift_left3A_357 = vector.broadcast %shift_left3A : i32 to vector<16xi32>
      %shift_left3A_358 = arith.shli %add3A_356, %shift_left3A_357 : vector<16xi32>
      %shift_right_arithmetic3A_359 = arith.constant 7 : i32
      %shift_right_arithmetic3A_360 = vector.broadcast %shift_right_arithmetic3A_359 : i32 to vector<16xi32>
      %shift_right_arithmetic3A_361 = arith.shrsi %get3A_349, %shift_right_arithmetic3A_360 : vector<16xi32>
      %mul3A_362 = arith.constant 896 : i32
      %mul3A_363 = vector.broadcast %mul3A_362 : i32 to vector<16xi32>
      %mul3A_364 = arith.muli %shift_right_arithmetic3A_361, %mul3A_363 : vector<16xi32>
      %add3A_365 = arith.addi %get3A_349, %mul3A_364 : vector<16xi32>
      %add3A_366 = arith.addi %shift_left3A_358, %add3A_365 : vector<16xi32>
      %mul3A_367 = arith.constant 16 : i32
      %mul3A_368 = arith.muli %scan3A_336, %mul3A_367 : i32
      %swap3A = arith.index_cast %mul3A_368 : i32 to index
      %swap3A_369 = tpu.vector_load %arg8[%swap3A] {strides = array<i32>} : memref<8192xi32, #tpu.memory_space<vmem>>, vector<16xi32>,
      tpu.vector_store %arg8[%swap3A], %add3A_366 {strides = array<i32>} : memref<8192xi32, #tpu.memory_space<vmem>>, vector<16xi32>,
    }
    %scan3A_41 = arith.constant 32 : i32
    %dma_start3A_42 = arith.constant 512 : i32
    %dma_start3A_43 = tpu.memref_slice %arg9[%dma_start3A_42] : memref<8192xf32, #tpu.memory_space<vmem>> -> memref<512xf32, #tpu.memory_space<vmem>>
    %dma_start3A_44 = arith.constant 512 : i32
    %dma_start3A_45 = tpu.memref_slice %arg8[%dma_start3A_44] : memref<8192xi32, #tpu.memory_space<vmem>> -> memref<512xi32, #tpu.memory_space<vmem>>
    %dma_start3A_46 = arith.constant 0 : i32
    %dma_start3A_47 = tpu.memref_slice %arg2[%dma_start3A_46] : memref<16777216xf32, #tpu.memory_space<hbm>> -> memref<16777216xf32, #tpu.memory_space<hbm>>
    tpu.enqueue_indirect_dma source(%dma_start3A_47 : memref<16777216xf32, #tpu.memory_space<hbm>>) target(%dma_start3A_43 : memref<512xf32, #tpu.memory_space<vmem>>) offsets(%dma_start3A_45 : memref<512xi32, #tpu.memory_space<vmem>>) semaphore(%arg12 : memref<!tpu.dma_semaphore, #tpu.memory_space<semaphore_mem>>)
    %scan3A_48 = arith.constant 0 : i32
    %scan3A_49 = arith.constant 64 : i32
    %scan3A_50 = arith.constant 32 : i32
    %scan3A_51 = arith.addi %scan3A_49, %scan3A_50 : i32
    %scan3A_52 = arith.constant 1 : i32
    scf.for %scan3A_336 = %scan3A_49 to %scan3A_51 step %scan3A_52  : i32 {
      %shift_right_arithmetic3A = arith.constant 3 : i32
      %shift_right_arithmetic3A_337 = arith.shrsi %scan3A_336, %shift_right_arithmetic3A : i32
      %and3A = arith.constant 7 : i32
      %and3A_338 = arith.andi %scan3A_336, %and3A : i32
      %mul3A_339 = arith.constant 16 : i32
      %mul3A_340 = arith.muli %and3A_338, %mul3A_339 : i32
      %get3A = arith.constant 0 : i32
      %get3A_341 = arith.index_cast %shift_right_arithmetic3A_337 : i32 to index
      %get3A_342 = arith.index_cast %get3A : i32 to index
      %get3A_343 = arith.index_cast %mul3A_340 : i32 to index
      %get3A_344 = tpu.vector_load %arg6[%get3A_341, %get3A_342, %get3A_343] {strides = array<i32>} : memref<64x2x128xi32, #tpu.memory_space<vmem>>, vector<16xi32>,
      %get3A_345 = arith.constant 1 : i32
      %get3A_346 = arith.index_cast %shift_right_arithmetic3A_337 : i32 to index
      %get3A_347 = arith.index_cast %get3A_345 : i32 to index
      %get3A_348 = arith.index_cast %mul3A_340 : i32 to index
      %get3A_349 = tpu.vector_load %arg6[%get3A_346, %get3A_347, %get3A_348] {strides = array<i32>} : memref<64x2x128xi32, #tpu.memory_space<vmem>>, vector<16xi32>,
      %shift_right_arithmetic3A_350 = arith.constant 3 : i32
      %shift_right_arithmetic3A_351 = vector.broadcast %shift_right_arithmetic3A_350 : i32 to vector<16xi32>
      %shift_right_arithmetic3A_352 = arith.shrsi %get3A_344, %shift_right_arithmetic3A_351 : vector<16xi32>
      %mul3A_353 = arith.constant 248 : i32
      %mul3A_354 = vector.broadcast %mul3A_353 : i32 to vector<16xi32>
      %mul3A_355 = arith.muli %shift_right_arithmetic3A_352, %mul3A_354 : vector<16xi32>
      %add3A_356 = arith.addi %get3A_344, %mul3A_355 : vector<16xi32>
      %shift_left3A = arith.constant 7 : i32
      %shift_left3A_357 = vector.broadcast %shift_left3A : i32 to vector<16xi32>
      %shift_left3A_358 = arith.shli %add3A_356, %shift_left3A_357 : vector<16xi32>
      %shift_right_arithmetic3A_359 = arith.constant 7 : i32
      %shift_right_arithmetic3A_360 = vector.broadcast %shift_right_arithmetic3A_359 : i32 to vector<16xi32>
      %shift_right_arithmetic3A_361 = arith.shrsi %get3A_349, %shift_right_arithmetic3A_360 : vector<16xi32>
      %mul3A_362 = arith.constant 896 : i32
      %mul3A_363 = vector.broadcast %mul3A_362 : i32 to vector<16xi32>
      %mul3A_364 = arith.muli %shift_right_arithmetic3A_361, %mul3A_363 : vector<16xi32>
      %add3A_365 = arith.addi %get3A_349, %mul3A_364 : vector<16xi32>
      %add3A_366 = arith.addi %shift_left3A_358, %add3A_365 : vector<16xi32>
      %mul3A_367 = arith.constant 16 : i32
      %mul3A_368 = arith.muli %scan3A_336, %mul3A_367 : i32
      %swap3A = arith.index_cast %mul3A_368 : i32 to index
      %swap3A_369 = tpu.vector_load %arg8[%swap3A] {strides = array<i32>} : memref<8192xi32, #tpu.memory_space<vmem>>, vector<16xi32>,
      tpu.vector_store %arg8[%swap3A], %add3A_366 {strides = array<i32>} : memref<8192xi32, #tpu.memory_space<vmem>>, vector<16xi32>,
    }
    %scan3A_53 = arith.constant 32 : i32
    %dma_start3A_54 = arith.constant 1024 : i32
    %dma_start3A_55 = tpu.memref_slice %arg9[%dma_start3A_54] : memref<8192xf32, #tpu.memory_space<vmem>> -> memref<512xf32, #tpu.memory_space<vmem>>
    %dma_start3A_56 = arith.constant 1024 : i32
    %dma_start3A_57 = tpu.memref_slice %arg8[%dma_start3A_56] : memref<8192xi32, #tpu.memory_space<vmem>> -> memref<512xi32, #tpu.memory_space<vmem>>
    %dma_start3A_58 = arith.constant 0 : i32
    %dma_start3A_59 = tpu.memref_slice %arg2[%dma_start3A_58] : memref<16777216xf32, #tpu.memory_space<hbm>> -> memref<16777216xf32, #tpu.memory_space<hbm>>
    tpu.enqueue_indirect_dma source(%dma_start3A_59 : memref<16777216xf32, #tpu.memory_space<hbm>>) target(%dma_start3A_55 : memref<512xf32, #tpu.memory_space<vmem>>) offsets(%dma_start3A_57 : memref<512xi32, #tpu.memory_space<vmem>>) semaphore(%arg12 : memref<!tpu.dma_semaphore, #tpu.memory_space<semaphore_mem>>)
    %scan3A_60 = arith.constant 0 : i32
    %scan3A_61 = arith.constant 96 : i32
    %scan3A_62 = arith.constant 32 : i32
    %scan3A_63 = arith.addi %scan3A_61, %scan3A_62 : i32
    %scan3A_64 = arith.constant 1 : i32
    scf.for %scan3A_336 = %scan3A_61 to %scan3A_63 step %scan3A_64  : i32 {
      %shift_right_arithmetic3A = arith.constant 3 : i32
      %shift_right_arithmetic3A_337 = arith.shrsi %scan3A_336, %shift_right_arithmetic3A : i32
      %and3A = arith.constant 7 : i32
      %and3A_338 = arith.andi %scan3A_336, %and3A : i32
      %mul3A_339 = arith.constant 16 : i32
      %mul3A_340 = arith.muli %and3A_338, %mul3A_339 : i32
      %get3A = arith.constant 0 : i32
      %get3A_341 = arith.index_cast %shift_right_arithmetic3A_337 : i32 to index
      %get3A_342 = arith.index_cast %get3A : i32 to index
      %get3A_343 = arith.index_cast %mul3A_340 : i32 to index
      %get3A_344 = tpu.vector_load %arg6[%get3A_341, %get3A_342, %get3A_343] {strides = array<i32>} : memref<64x2x128xi32, #tpu.memory_space<vmem>>, vector<16xi32>,
      %get3A_345 = arith.constant 1 : i32
      %get3A_346 = arith.index_cast %shift_right_arithmetic3A_337 : i32 to index
      %get3A_347 = arith.index_cast %get3A_345 : i32 to index
      %get3A_348 = arith.index_cast %mul3A_340 : i32 to index
      %get3A_349 = tpu.vector_load %arg6[%get3A_346, %get3A_347, %get3A_348] {strides = array<i32>} : memref<64x2x128xi32, #tpu.memory_space<vmem>>, vector<16xi32>,
      %shift_right_arithmetic3A_350 = arith.constant 3 : i32
      %shift_right_arithmetic3A_351 = vector.broadcast %shift_right_arithmetic3A_350 : i32 to vector<16xi32>
      %shift_right_arithmetic3A_352 = arith.shrsi %get3A_344, %shift_right_arithmetic3A_351 : vector<16xi32>
      %mul3A_353 = arith.constant 248 : i32
      %mul3A_354 = vector.broadcast %mul3A_353 : i32 to vector<16xi32>
      %mul3A_355 = arith.muli %shift_right_arithmetic3A_352, %mul3A_354 : vector<16xi32>
      %add3A_356 = arith.addi %get3A_344, %mul3A_355 : vector<16xi32>
      %shift_left3A = arith.constant 7 : i32
      %shift_left3A_357 = vector.broadcast %shift_left3A : i32 to vector<16xi32>
      %shift_left3A_358 = arith.shli %add3A_356, %shift_left3A_357 : vector<16xi32>
      %shift_right_arithmetic3A_359 = arith.constant 7 : i32
      %shift_right_arithmetic3A_360 = vector.broadcast %shift_right_arithmetic3A_359 : i32 to vector<16xi32>
      %shift_right_arithmetic3A_361 = arith.shrsi %get3A_349, %shift_right_arithmetic3A_360 : vector<16xi32>
      %mul3A_362 = arith.constant 896 : i32
      %mul3A_363 = vector.broadcast %mul3A_362 : i32 to vector<16xi32>
      %mul3A_364 = arith.muli %shift_right_arithmetic3A_361, %mul3A_363 : vector<16xi32>
      %add3A_365 = arith.addi %get3A_349, %mul3A_364 : vector<16xi32>
      %add3A_366 = arith.addi %shift_left3A_358, %add3A_365 : vector<16xi32>
      %mul3A_367 = arith.constant 16 : i32
      %mul3A_368 = arith.muli %scan3A_336, %mul3A_367 : i32
      %swap3A = arith.index_cast %mul3A_368 : i32 to index
      %swap3A_369 = tpu.vector_load %arg8[%swap3A] {strides = array<i32>} : memref<8192xi32, #tpu.memory_space<vmem>>, vector<16xi32>,
      tpu.vector_store %arg8[%swap3A], %add3A_366 {strides = array<i32>} : memref<8192xi32, #tpu.memory_space<vmem>>, vector<16xi32>,
    }
    %scan3A_65 = arith.constant 32 : i32
    %dma_start3A_66 = arith.constant 1536 : i32
    %dma_start3A_67 = tpu.memref_slice %arg9[%dma_start3A_66] : memref<8192xf32, #tpu.memory_space<vmem>> -> memref<512xf32, #tpu.memory_space<vmem>>
    %dma_start3A_68 = arith.constant 1536 : i32
    %dma_start3A_69 = tpu.memref_slice %arg8[%dma_start3A_68] : memref<8192xi32, #tpu.memory_space<vmem>> -> memref<512xi32, #tpu.memory_space<vmem>>
    %dma_start3A_70 = arith.constant 0 : i32
    %dma_start3A_71 = tpu.memref_slice %arg2[%dma_start3A_70] : memref<16777216xf32, #tpu.memory_space<hbm>> -> memref<16777216xf32, #tpu.memory_space<hbm>>
    tpu.enqueue_indirect_dma source(%dma_start3A_71 : memref<16777216xf32, #tpu.memory_space<hbm>>) target(%dma_start3A_67 : memref<512xf32, #tpu.memory_space<vmem>>) offsets(%dma_start3A_69 : memref<512xi32, #tpu.memory_space<vmem>>) semaphore(%arg12 : memref<!tpu.dma_semaphore, #tpu.memory_space<semaphore_mem>>)
    %scan3A_72 = arith.constant 0 : i32
    %scan3A_73 = arith.constant 128 : i32
    %scan3A_74 = arith.constant 32 : i32
    %scan3A_75 = arith.addi %scan3A_73, %scan3A_74 : i32
    %scan3A_76 = arith.constant 1 : i32
    scf.for %scan3A_336 = %scan3A_73 to %scan3A_75 step %scan3A_76  : i32 {
      %shift_right_arithmetic3A = arith.constant 3 : i32
      %shift_right_arithmetic3A_337 = arith.shrsi %scan3A_336, %shift_right_arithmetic3A : i32
      %and3A = arith.constant 7 : i32
      %and3A_338 = arith.andi %scan3A_336, %and3A : i32
      %mul3A_339 = arith.constant 16 : i32
      %mul3A_340 = arith.muli %and3A_338, %mul3A_339 : i32
      %get3A = arith.constant 0 : i32
      %get3A_341 = arith.index_cast %shift_right_arithmetic3A_337 : i32 to index
      %get3A_342 = arith.index_cast %get3A : i32 to index
      %get3A_343 = arith.index_cast %mul3A_340 : i32 to index
      %get3A_344 = tpu.vector_load %arg6[%get3A_341, %get3A_342, %get3A_343] {strides = array<i32>} : memref<64x2x128xi32, #tpu.memory_space<vmem>>, vector<16xi32>,
      %get3A_345 = arith.constant 1 : i32
      %get3A_346 = arith.index_cast %shift_right_arithmetic3A_337 : i32 to index
      %get3A_347 = arith.index_cast %get3A_345 : i32 to index
      %get3A_348 = arith.index_cast %mul3A_340 : i32 to index
      %get3A_349 = tpu.vector_load %arg6[%get3A_346, %get3A_347, %get3A_348] {strides = array<i32>} : memref<64x2x128xi32, #tpu.memory_space<vmem>>, vector<16xi32>,
      %shift_right_arithmetic3A_350 = arith.constant 3 : i32
      %shift_right_arithmetic3A_351 = vector.broadcast %shift_right_arithmetic3A_350 : i32 to vector<16xi32>
      %shift_right_arithmetic3A_352 = arith.shrsi %get3A_344, %shift_right_arithmetic3A_351 : vector<16xi32>
      %mul3A_353 = arith.constant 248 : i32
      %mul3A_354 = vector.broadcast %mul3A_353 : i32 to vector<16xi32>
      %mul3A_355 = arith.muli %shift_right_arithmetic3A_352, %mul3A_354 : vector<16xi32>
      %add3A_356 = arith.addi %get3A_344, %mul3A_355 : vector<16xi32>
      %shift_left3A = arith.constant 7 : i32
      %shift_left3A_357 = vector.broadcast %shift_left3A : i32 to vector<16xi32>
      %shift_left3A_358 = arith.shli %add3A_356, %shift_left3A_357 : vector<16xi32>
      %shift_right_arithmetic3A_359 = arith.constant 7 : i32
      %shift_right_arithmetic3A_360 = vector.broadcast %shift_right_arithmetic3A_359 : i32 to vector<16xi32>
      %shift_right_arithmetic3A_361 = arith.shrsi %get3A_349, %shift_right_arithmetic3A_360 : vector<16xi32>
      %mul3A_362 = arith.constant 896 : i32
      %mul3A_363 = vector.broadcast %mul3A_362 : i32 to vector<16xi32>
      %mul3A_364 = arith.muli %shift_right_arithmetic3A_361, %mul3A_363 : vector<16xi32>
      %add3A_365 = arith.addi %get3A_349, %mul3A_364 : vector<16xi32>
      %add3A_366 = arith.addi %shift_left3A_358, %add3A_365 : vector<16xi32>
      %mul3A_367 = arith.constant 16 : i32
      %mul3A_368 = arith.muli %scan3A_336, %mul3A_367 : i32
      %swap3A = arith.index_cast %mul3A_368 : i32 to index
      %swap3A_369 = tpu.vector_load %arg8[%swap3A] {strides = array<i32>} : memref<8192xi32, #tpu.memory_space<vmem>>, vector<16xi32>,
      tpu.vector_store %arg8[%swap3A], %add3A_366 {strides = array<i32>} : memref<8192xi32, #tpu.memory_space<vmem>>, vector<16xi32>,
    }
    %scan3A_77 = arith.constant 32 : i32
    %dma_start3A_78 = arith.constant 2048 : i32
    %dma_start3A_79 = tpu.memref_slice %arg9[%dma_start3A_78] : memref<8192xf32, #tpu.memory_space<vmem>> -> memref<512xf32, #tpu.memory_space<vmem>>
    %dma_start3A_80 = arith.constant 2048 : i32
    %dma_start3A_81 = tpu.memref_slice %arg8[%dma_start3A_80] : memref<8192xi32, #tpu.memory_space<vmem>> -> memref<512xi32, #tpu.memory_space<vmem>>
    %dma_start3A_82 = arith.constant 0 : i32
    %dma_start3A_83 = tpu.memref_slice %arg2[%dma_start3A_82] : memref<16777216xf32, #tpu.memory_space<hbm>> -> memref<16777216xf32, #tpu.memory_space<hbm>>
    tpu.enqueue_indirect_dma source(%dma_start3A_83 : memref<16777216xf32, #tpu.memory_space<hbm>>) target(%dma_start3A_79 : memref<512xf32, #tpu.memory_space<vmem>>) offsets(%dma_start3A_81 : memref<512xi32, #tpu.memory_space<vmem>>) semaphore(%arg13 : memref<!tpu.dma_semaphore, #tpu.memory_space<semaphore_mem>>)
    %scan3A_84 = arith.constant 0 : i32
    %scan3A_85 = arith.constant 160 : i32
    %scan3A_86 = arith.constant 32 : i32
    %scan3A_87 = arith.addi %scan3A_85, %scan3A_86 : i32
    %scan3A_88 = arith.constant 1 : i32
    scf.for %scan3A_336 = %scan3A_85 to %scan3A_87 step %scan3A_88  : i32 {
      %shift_right_arithmetic3A = arith.constant 3 : i32
      %shift_right_arithmetic3A_337 = arith.shrsi %scan3A_336, %shift_right_arithmetic3A : i32
      %and3A = arith.constant 7 : i32
      %and3A_338 = arith.andi %scan3A_336, %and3A : i32
      %mul3A_339 = arith.constant 16 : i32
      %mul3A_340 = arith.muli %and3A_338, %mul3A_339 : i32
      %get3A = arith.constant 0 : i32
      %get3A_341 = arith.index_cast %shift_right_arithmetic3A_337 : i32 to index
      %get3A_342 = arith.index_cast %get3A : i32 to index
      %get3A_343 = arith.index_cast %mul3A_340 : i32 to index
      %get3A_344 = tpu.vector_load %arg6[%get3A_341, %get3A_342, %get3A_343] {strides = array<i32>} : memref<64x2x128xi32, #tpu.memory_space<vmem>>, vector<16xi32>,
      %get3A_345 = arith.constant 1 : i32
      %get3A_346 = arith.index_cast %shift_right_arithmetic3A_337 : i32 to index
      %get3A_347 = arith.index_cast %get3A_345 : i32 to index
      %get3A_348 = arith.index_cast %mul3A_340 : i32 to index
      %get3A_349 = tpu.vector_load %arg6[%get3A_346, %get3A_347, %get3A_348] {strides = array<i32>} : memref<64x2x128xi32, #tpu.memory_space<vmem>>, vector<16xi32>,
      %shift_right_arithmetic3A_350 = arith.constant 3 : i32
      %shift_right_arithmetic3A_351 = vector.broadcast %shift_right_arithmetic3A_350 : i32 to vector<16xi32>
      %shift_right_arithmetic3A_352 = arith.shrsi %get3A_344, %shift_right_arithmetic3A_351 : vector<16xi32>
      %mul3A_353 = arith.constant 248 : i32
      %mul3A_354 = vector.broadcast %mul3A_353 : i32 to vector<16xi32>
      %mul3A_355 = arith.muli %shift_right_arithmetic3A_352, %mul3A_354 : vector<16xi32>
      %add3A_356 = arith.addi %get3A_344, %mul3A_355 : vector<16xi32>
      %shift_left3A = arith.constant 7 : i32
      %shift_left3A_357 = vector.broadcast %shift_left3A : i32 to vector<16xi32>
      %shift_left3A_358 = arith.shli %add3A_356, %shift_left3A_357 : vector<16xi32>
      %shift_right_arithmetic3A_359 = arith.constant 7 : i32
      %shift_right_arithmetic3A_360 = vector.broadcast %shift_right_arithmetic3A_359 : i32 to vector<16xi32>
      %shift_right_arithmetic3A_361 = arith.shrsi %get3A_349, %shift_right_arithmetic3A_360 : vector<16xi32>
      %mul3A_362 = arith.constant 896 : i32
      %mul3A_363 = vector.broadcast %mul3A_362 : i32 to vector<16xi32>
      %mul3A_364 = arith.muli %shift_right_arithmetic3A_361, %mul3A_363 : vector<16xi32>
      %add3A_365 = arith.addi %get3A_349, %mul3A_364 : vector<16xi32>
      %add3A_366 = arith.addi %shift_left3A_358, %add3A_365 : vector<16xi32>
      %mul3A_367 = arith.constant 16 : i32
      %mul3A_368 = arith.muli %scan3A_336, %mul3A_367 : i32
      %swap3A = arith.index_cast %mul3A_368 : i32 to index
      %swap3A_369 = tpu.vector_load %arg8[%swap3A] {strides = array<i32>} : memref<8192xi32, #tpu.memory_space<vmem>>, vector<16xi32>,
      tpu.vector_store %arg8[%swap3A], %add3A_366 {strides = array<i32>} : memref<8192xi32, #tpu.memory_space<vmem>>, vector<16xi32>,
    }
    %scan3A_89 = arith.constant 32 : i32
    %dma_start3A_90 = arith.constant 2560 : i32
    %dma_start3A_91 = tpu.memref_slice %arg9[%dma_start3A_90] : memref<8192xf32, #tpu.memory_space<vmem>> -> memref<512xf32, #tpu.memory_space<vmem>>
    %dma_start3A_92 = arith.constant 2560 : i32
    %dma_start3A_93 = tpu.memref_slice %arg8[%dma_start3A_92] : memref<8192xi32, #tpu.memory_space<vmem>> -> memref<512xi32, #tpu.memory_space<vmem>>
    %dma_start3A_94 = arith.constant 0 : i32
    %dma_start3A_95 = tpu.memref_slice %arg2[%dma_start3A_94] : memref<16777216xf32, #tpu.memory_space<hbm>> -> memref<16777216xf32, #tpu.memory_space<hbm>>
    tpu.enqueue_indirect_dma source(%dma_start3A_95 : memref<16777216xf32, #tpu.memory_space<hbm>>) target(%dma_start3A_91 : memref<512xf32, #tpu.memory_space<vmem>>) offsets(%dma_start3A_93 : memref<512xi32, #tpu.memory_space<vmem>>) semaphore(%arg13 : memref<!tpu.dma_semaphore, #tpu.memory_space<semaphore_mem>>)
    %scan3A_96 = arith.constant 0 : i32
    %scan3A_97 = arith.constant 192 : i32
    %scan3A_98 = arith.constant 32 : i32
    %scan3A_99 = arith.addi %scan3A_97, %scan3A_98 : i32
    %scan3A_100 = arith.constant 1 : i32
    scf.for %scan3A_336 = %scan3A_97 to %scan3A_99 step %scan3A_100  : i32 {
      %shift_right_arithmetic3A = arith.constant 3 : i32
      %shift_right_arithmetic3A_337 = arith.shrsi %scan3A_336, %shift_right_arithmetic3A : i32
      %and3A = arith.constant 7 : i32
      %and3A_338 = arith.andi %scan3A_336, %and3A : i32
      %mul3A_339 = arith.constant 16 : i32
      %mul3A_340 = arith.muli %and3A_338, %mul3A_339 : i32
      %get3A = arith.constant 0 : i32
      %get3A_341 = arith.index_cast %shift_right_arithmetic3A_337 : i32 to index
      %get3A_342 = arith.index_cast %get3A : i32 to index
      %get3A_343 = arith.index_cast %mul3A_340 : i32 to index
      %get3A_344 = tpu.vector_load %arg6[%get3A_341, %get3A_342, %get3A_343] {strides = array<i32>} : memref<64x2x128xi32, #tpu.memory_space<vmem>>, vector<16xi32>,
      %get3A_345 = arith.constant 1 : i32
      %get3A_346 = arith.index_cast %shift_right_arithmetic3A_337 : i32 to index
      %get3A_347 = arith.index_cast %get3A_345 : i32 to index
      %get3A_348 = arith.index_cast %mul3A_340 : i32 to index
      %get3A_349 = tpu.vector_load %arg6[%get3A_346, %get3A_347, %get3A_348] {strides = array<i32>} : memref<64x2x128xi32, #tpu.memory_space<vmem>>, vector<16xi32>,
      %shift_right_arithmetic3A_350 = arith.constant 3 : i32
      %shift_right_arithmetic3A_351 = vector.broadcast %shift_right_arithmetic3A_350 : i32 to vector<16xi32>
      %shift_right_arithmetic3A_352 = arith.shrsi %get3A_344, %shift_right_arithmetic3A_351 : vector<16xi32>
      %mul3A_353 = arith.constant 248 : i32
      %mul3A_354 = vector.broadcast %mul3A_353 : i32 to vector<16xi32>
      %mul3A_355 = arith.muli %shift_right_arithmetic3A_352, %mul3A_354 : vector<16xi32>
      %add3A_356 = arith.addi %get3A_344, %mul3A_355 : vector<16xi32>
      %shift_left3A = arith.constant 7 : i32
      %shift_left3A_357 = vector.broadcast %shift_left3A : i32 to vector<16xi32>
      %shift_left3A_358 = arith.shli %add3A_356, %shift_left3A_357 : vector<16xi32>
      %shift_right_arithmetic3A_359 = arith.constant 7 : i32
      %shift_right_arithmetic3A_360 = vector.broadcast %shift_right_arithmetic3A_359 : i32 to vector<16xi32>
      %shift_right_arithmetic3A_361 = arith.shrsi %get3A_349, %shift_right_arithmetic3A_360 : vector<16xi32>
      %mul3A_362 = arith.constant 896 : i32
      %mul3A_363 = vector.broadcast %mul3A_362 : i32 to vector<16xi32>
      %mul3A_364 = arith.muli %shift_right_arithmetic3A_361, %mul3A_363 : vector<16xi32>
      %add3A_365 = arith.addi %get3A_349, %mul3A_364 : vector<16xi32>
      %add3A_366 = arith.addi %shift_left3A_358, %add3A_365 : vector<16xi32>
      %mul3A_367 = arith.constant 16 : i32
      %mul3A_368 = arith.muli %scan3A_336, %mul3A_367 : i32
      %swap3A = arith.index_cast %mul3A_368 : i32 to index
      %swap3A_369 = tpu.vector_load %arg8[%swap3A] {strides = array<i32>} : memref<8192xi32, #tpu.memory_space<vmem>>, vector<16xi32>,
      tpu.vector_store %arg8[%swap3A], %add3A_366 {strides = array<i32>} : memref<8192xi32, #tpu.memory_space<vmem>>, vector<16xi32>,
    }
    %scan3A_101 = arith.constant 32 : i32
    %dma_start3A_102 = arith.constant 3072 : i32
    %dma_start3A_103 = tpu.memref_slice %arg9[%dma_start3A_102] : memref<8192xf32, #tpu.memory_space<vmem>> -> memref<512xf32, #tpu.memory_space<vmem>>
    %dma_start3A_104 = arith.constant 3072 : i32
    %dma_start3A_105 = tpu.memref_slice %arg8[%dma_start3A_104] : memref<8192xi32, #tpu.memory_space<vmem>> -> memref<512xi32, #tpu.memory_space<vmem>>
    %dma_start3A_106 = arith.constant 0 : i32
    %dma_start3A_107 = tpu.memref_slice %arg2[%dma_start3A_106] : memref<16777216xf32, #tpu.memory_space<hbm>> -> memref<16777216xf32, #tpu.memory_space<hbm>>
    tpu.enqueue_indirect_dma source(%dma_start3A_107 : memref<16777216xf32, #tpu.memory_space<hbm>>) target(%dma_start3A_103 : memref<512xf32, #tpu.memory_space<vmem>>) offsets(%dma_start3A_105 : memref<512xi32, #tpu.memory_space<vmem>>) semaphore(%arg13 : memref<!tpu.dma_semaphore, #tpu.memory_space<semaphore_mem>>)
    %scan3A_108 = arith.constant 0 : i32
    %scan3A_109 = arith.constant 224 : i32
    %scan3A_110 = arith.constant 32 : i32
    %scan3A_111 = arith.addi %scan3A_109, %scan3A_110 : i32
    %scan3A_112 = arith.constant 1 : i32
    scf.for %scan3A_336 = %scan3A_109 to %scan3A_111 step %scan3A_112  : i32 {
      %shift_right_arithmetic3A = arith.constant 3 : i32
      %shift_right_arithmetic3A_337 = arith.shrsi %scan3A_336, %shift_right_arithmetic3A : i32
      %and3A = arith.constant 7 : i32
      %and3A_338 = arith.andi %scan3A_336, %and3A : i32
      %mul3A_339 = arith.constant 16 : i32
      %mul3A_340 = arith.muli %and3A_338, %mul3A_339 : i32
      %get3A = arith.constant 0 : i32
      %get3A_341 = arith.index_cast %shift_right_arithmetic3A_337 : i32 to index
      %get3A_342 = arith.index_cast %get3A : i32 to index
      %get3A_343 = arith.index_cast %mul3A_340 : i32 to index
      %get3A_344 = tpu.vector_load %arg6[%get3A_341, %get3A_342, %get3A_343] {strides = array<i32>} : memref<64x2x128xi32, #tpu.memory_space<vmem>>, vector<16xi32>,
      %get3A_345 = arith.constant 1 : i32
      %get3A_346 = arith.index_cast %shift_right_arithmetic3A_337 : i32 to index
      %get3A_347 = arith.index_cast %get3A_345 : i32 to index
      %get3A_348 = arith.index_cast %mul3A_340 : i32 to index
      %get3A_349 = tpu.vector_load %arg6[%get3A_346, %get3A_347, %get3A_348] {strides = array<i32>} : memref<64x2x128xi32, #tpu.memory_space<vmem>>, vector<16xi32>,
      %shift_right_arithmetic3A_350 = arith.constant 3 : i32
      %shift_right_arithmetic3A_351 = vector.broadcast %shift_right_arithmetic3A_350 : i32 to vector<16xi32>
      %shift_right_arithmetic3A_352 = arith.shrsi %get3A_344, %shift_right_arithmetic3A_351 : vector<16xi32>
      %mul3A_353 = arith.constant 248 : i32
      %mul3A_354 = vector.broadcast %mul3A_353 : i32 to vector<16xi32>
      %mul3A_355 = arith.muli %shift_right_arithmetic3A_352, %mul3A_354 : vector<16xi32>
      %add3A_356 = arith.addi %get3A_344, %mul3A_355 : vector<16xi32>
      %shift_left3A = arith.constant 7 : i32
      %shift_left3A_357 = vector.broadcast %shift_left3A : i32 to vector<16xi32>
      %shift_left3A_358 = arith.shli %add3A_356, %shift_left3A_357 : vector<16xi32>
      %shift_right_arithmetic3A_359 = arith.constant 7 : i32
      %shift_right_arithmetic3A_360 = vector.broadcast %shift_right_arithmetic3A_359 : i32 to vector<16xi32>
      %shift_right_arithmetic3A_361 = arith.shrsi %get3A_349, %shift_right_arithmetic3A_360 : vector<16xi32>
      %mul3A_362 = arith.constant 896 : i32
      %mul3A_363 = vector.broadcast %mul3A_362 : i32 to vector<16xi32>
      %mul3A_364 = arith.muli %shift_right_arithmetic3A_361, %mul3A_363 : vector<16xi32>
      %add3A_365 = arith.addi %get3A_349, %mul3A_364 : vector<16xi32>
      %add3A_366 = arith.addi %shift_left3A_358, %add3A_365 : vector<16xi32>
      %mul3A_367 = arith.constant 16 : i32
      %mul3A_368 = arith.muli %scan3A_336, %mul3A_367 : i32
      %swap3A = arith.index_cast %mul3A_368 : i32 to index
      %swap3A_369 = tpu.vector_load %arg8[%swap3A] {strides = array<i32>} : memref<8192xi32, #tpu.memory_space<vmem>>, vector<16xi32>,
      tpu.vector_store %arg8[%swap3A], %add3A_366 {strides = array<i32>} : memref<8192xi32, #tpu.memory_space<vmem>>, vector<16xi32>,
    }
    %scan3A_113 = arith.constant 32 : i32
    %dma_start3A_114 = arith.constant 3584 : i32
    %dma_start3A_115 = tpu.memref_slice %arg9[%dma_start3A_114] : memref<8192xf32, #tpu.memory_space<vmem>> -> memref<512xf32, #tpu.memory_space<vmem>>
    %dma_start3A_116 = arith.constant 3584 : i32
    %dma_start3A_117 = tpu.memref_slice %arg8[%dma_start3A_116] : memref<8192xi32, #tpu.memory_space<vmem>> -> memref<512xi32, #tpu.memory_space<vmem>>
    %dma_start3A_118 = arith.constant 0 : i32
    %dma_start3A_119 = tpu.memref_slice %arg2[%dma_start3A_118] : memref<16777216xf32, #tpu.memory_space<hbm>> -> memref<16777216xf32, #tpu.memory_space<hbm>>
    tpu.enqueue_indirect_dma source(%dma_start3A_119 : memref<16777216xf32, #tpu.memory_space<hbm>>) target(%dma_start3A_115 : memref<512xf32, #tpu.memory_space<vmem>>) offsets(%dma_start3A_117 : memref<512xi32, #tpu.memory_space<vmem>>) semaphore(%arg13 : memref<!tpu.dma_semaphore, #tpu.memory_space<semaphore_mem>>)
    %scan3A_120 = arith.constant 0 : i32
    %scan3A_121 = arith.constant 256 : i32
    %scan3A_122 = arith.constant 32 : i32
    %scan3A_123 = arith.addi %scan3A_121, %scan3A_122 : i32
    %scan3A_124 = arith.constant 1 : i32
    scf.for %scan3A_336 = %scan3A_121 to %scan3A_123 step %scan3A_124  : i32 {
      %shift_right_arithmetic3A = arith.constant 3 : i32
      %shift_right_arithmetic3A_337 = arith.shrsi %scan3A_336, %shift_right_arithmetic3A : i32
      %and3A = arith.constant 7 : i32
      %and3A_338 = arith.andi %scan3A_336, %and3A : i32
      %mul3A_339 = arith.constant 16 : i32
      %mul3A_340 = arith.muli %and3A_338, %mul3A_339 : i32
      %get3A = arith.constant 0 : i32
      %get3A_341 = arith.index_cast %shift_right_arithmetic3A_337 : i32 to index
      %get3A_342 = arith.index_cast %get3A : i32 to index
      %get3A_343 = arith.index_cast %mul3A_340 : i32 to index
      %get3A_344 = tpu.vector_load %arg6[%get3A_341, %get3A_342, %get3A_343] {strides = array<i32>} : memref<64x2x128xi32, #tpu.memory_space<vmem>>, vector<16xi32>,
      %get3A_345 = arith.constant 1 : i32
      %get3A_346 = arith.index_cast %shift_right_arithmetic3A_337 : i32 to index
      %get3A_347 = arith.index_cast %get3A_345 : i32 to index
      %get3A_348 = arith.index_cast %mul3A_340 : i32 to index
      %get3A_349 = tpu.vector_load %arg6[%get3A_346, %get3A_347, %get3A_348] {strides = array<i32>} : memref<64x2x128xi32, #tpu.memory_space<vmem>>, vector<16xi32>,
      %shift_right_arithmetic3A_350 = arith.constant 3 : i32
      %shift_right_arithmetic3A_351 = vector.broadcast %shift_right_arithmetic3A_350 : i32 to vector<16xi32>
      %shift_right_arithmetic3A_352 = arith.shrsi %get3A_344, %shift_right_arithmetic3A_351 : vector<16xi32>
      %mul3A_353 = arith.constant 248 : i32
      %mul3A_354 = vector.broadcast %mul3A_353 : i32 to vector<16xi32>
      %mul3A_355 = arith.muli %shift_right_arithmetic3A_352, %mul3A_354 : vector<16xi32>
      %add3A_356 = arith.addi %get3A_344, %mul3A_355 : vector<16xi32>
      %shift_left3A = arith.constant 7 : i32
      %shift_left3A_357 = vector.broadcast %shift_left3A : i32 to vector<16xi32>
      %shift_left3A_358 = arith.shli %add3A_356, %shift_left3A_357 : vector<16xi32>
      %shift_right_arithmetic3A_359 = arith.constant 7 : i32
      %shift_right_arithmetic3A_360 = vector.broadcast %shift_right_arithmetic3A_359 : i32 to vector<16xi32>
      %shift_right_arithmetic3A_361 = arith.shrsi %get3A_349, %shift_right_arithmetic3A_360 : vector<16xi32>
      %mul3A_362 = arith.constant 896 : i32
      %mul3A_363 = vector.broadcast %mul3A_362 : i32 to vector<16xi32>
      %mul3A_364 = arith.muli %shift_right_arithmetic3A_361, %mul3A_363 : vector<16xi32>
      %add3A_365 = arith.addi %get3A_349, %mul3A_364 : vector<16xi32>
      %add3A_366 = arith.addi %shift_left3A_358, %add3A_365 : vector<16xi32>
      %mul3A_367 = arith.constant 16 : i32
      %mul3A_368 = arith.muli %scan3A_336, %mul3A_367 : i32
      %swap3A = arith.index_cast %mul3A_368 : i32 to index
      %swap3A_369 = tpu.vector_load %arg8[%swap3A] {strides = array<i32>} : memref<8192xi32, #tpu.memory_space<vmem>>, vector<16xi32>,
      tpu.vector_store %arg8[%swap3A], %add3A_366 {strides = array<i32>} : memref<8192xi32, #tpu.memory_space<vmem>>, vector<16xi32>,
    }
    %scan3A_125 = arith.constant 32 : i32
    %dma_start3A_126 = arith.constant 4096 : i32
    %dma_start3A_127 = tpu.memref_slice %arg9[%dma_start3A_126] : memref<8192xf32, #tpu.memory_space<vmem>> -> memref<512xf32, #tpu.memory_space<vmem>>
    %dma_start3A_128 = arith.constant 4096 : i32
    %dma_start3A_129 = tpu.memref_slice %arg8[%dma_start3A_128] : memref<8192xi32, #tpu.memory_space<vmem>> -> memref<512xi32, #tpu.memory_space<vmem>>
    %dma_start3A_130 = arith.constant 0 : i32
    %dma_start3A_131 = tpu.memref_slice %arg2[%dma_start3A_130] : memref<16777216xf32, #tpu.memory_space<hbm>> -> memref<16777216xf32, #tpu.memory_space<hbm>>
    tpu.enqueue_indirect_dma source(%dma_start3A_131 : memref<16777216xf32, #tpu.memory_space<hbm>>) target(%dma_start3A_127 : memref<512xf32, #tpu.memory_space<vmem>>) offsets(%dma_start3A_129 : memref<512xi32, #tpu.memory_space<vmem>>) semaphore(%arg14 : memref<!tpu.dma_semaphore, #tpu.memory_space<semaphore_mem>>)
    %scan3A_132 = arith.constant 0 : i32
    %scan3A_133 = arith.constant 288 : i32
    %scan3A_134 = arith.constant 32 : i32
    %scan3A_135 = arith.addi %scan3A_133, %scan3A_134 : i32
    %scan3A_136 = arith.constant 1 : i32
    scf.for %scan3A_336 = %scan3A_133 to %scan3A_135 step %scan3A_136  : i32 {
      %shift_right_arithmetic3A = arith.constant 3 : i32
      %shift_right_arithmetic3A_337 = arith.shrsi %scan3A_336, %shift_right_arithmetic3A : i32
      %and3A = arith.constant 7 : i32
      %and3A_338 = arith.andi %scan3A_336, %and3A : i32
      %mul3A_339 = arith.constant 16 : i32
      %mul3A_340 = arith.muli %and3A_338, %mul3A_339 : i32
      %get3A = arith.constant 0 : i32
      %get3A_341 = arith.index_cast %shift_right_arithmetic3A_337 : i32 to index
      %get3A_342 = arith.index_cast %get3A : i32 to index
      %get3A_343 = arith.index_cast %mul3A_340 : i32 to index
      %get3A_344 = tpu.vector_load %arg6[%get3A_341, %get3A_342, %get3A_343] {strides = array<i32>} : memref<64x2x128xi32, #tpu.memory_space<vmem>>, vector<16xi32>,
      %get3A_345 = arith.constant 1 : i32
      %get3A_346 = arith.index_cast %shift_right_arithmetic3A_337 : i32 to index
      %get3A_347 = arith.index_cast %get3A_345 : i32 to index
      %get3A_348 = arith.index_cast %mul3A_340 : i32 to index
      %get3A_349 = tpu.vector_load %arg6[%get3A_346, %get3A_347, %get3A_348] {strides = array<i32>} : memref<64x2x128xi32, #tpu.memory_space<vmem>>, vector<16xi32>,
      %shift_right_arithmetic3A_350 = arith.constant 3 : i32
      %shift_right_arithmetic3A_351 = vector.broadcast %shift_right_arithmetic3A_350 : i32 to vector<16xi32>
      %shift_right_arithmetic3A_352 = arith.shrsi %get3A_344, %shift_right_arithmetic3A_351 : vector<16xi32>
      %mul3A_353 = arith.constant 248 : i32
      %mul3A_354 = vector.broadcast %mul3A_353 : i32 to vector<16xi32>
      %mul3A_355 = arith.muli %shift_right_arithmetic3A_352, %mul3A_354 : vector<16xi32>
      %add3A_356 = arith.addi %get3A_344, %mul3A_355 : vector<16xi32>
      %shift_left3A = arith.constant 7 : i32
      %shift_left3A_357 = vector.broadcast %shift_left3A : i32 to vector<16xi32>
      %shift_left3A_358 = arith.shli %add3A_356, %shift_left3A_357 : vector<16xi32>
      %shift_right_arithmetic3A_359 = arith.constant 7 : i32
      %shift_right_arithmetic3A_360 = vector.broadcast %shift_right_arithmetic3A_359 : i32 to vector<16xi32>
      %shift_right_arithmetic3A_361 = arith.shrsi %get3A_349, %shift_right_arithmetic3A_360 : vector<16xi32>
      %mul3A_362 = arith.constant 896 : i32
      %mul3A_363 = vector.broadcast %mul3A_362 : i32 to vector<16xi32>
      %mul3A_364 = arith.muli %shift_right_arithmetic3A_361, %mul3A_363 : vector<16xi32>
      %add3A_365 = arith.addi %get3A_349, %mul3A_364 : vector<16xi32>
      %add3A_366 = arith.addi %shift_left3A_358, %add3A_365 : vector<16xi32>
      %mul3A_367 = arith.constant 16 : i32
      %mul3A_368 = arith.muli %scan3A_336, %mul3A_367 : i32
      %swap3A = arith.index_cast %mul3A_368 : i32 to index
      %swap3A_369 = tpu.vector_load %arg8[%swap3A] {strides = array<i32>} : memref<8192xi32, #tpu.memory_space<vmem>>, vector<16xi32>,
      tpu.vector_store %arg8[%swap3A], %add3A_366 {strides = array<i32>} : memref<8192xi32, #tpu.memory_space<vmem>>, vector<16xi32>,
    }
    %scan3A_137 = arith.constant 32 : i32
    %dma_start3A_138 = arith.constant 4608 : i32
    %dma_start3A_139 = tpu.memref_slice %arg9[%dma_start3A_138] : memref<8192xf32, #tpu.memory_space<vmem>> -> memref<512xf32, #tpu.memory_space<vmem>>
    %dma_start3A_140 = arith.constant 4608 : i32
    %dma_start3A_141 = tpu.memref_slice %arg8[%dma_start3A_140] : memref<8192xi32, #tpu.memory_space<vmem>> -> memref<512xi32, #tpu.memory_space<vmem>>
    %dma_start3A_142 = arith.constant 0 : i32
    %dma_start3A_143 = tpu.memref_slice %arg2[%dma_start3A_142] : memref<16777216xf32, #tpu.memory_space<hbm>> -> memref<16777216xf32, #tpu.memory_space<hbm>>
    tpu.enqueue_indirect_dma source(%dma_start3A_143 : memref<16777216xf32, #tpu.memory_space<hbm>>) target(%dma_start3A_139 : memref<512xf32, #tpu.memory_space<vmem>>) offsets(%dma_start3A_141 : memref<512xi32, #tpu.memory_space<vmem>>) semaphore(%arg14 : memref<!tpu.dma_semaphore, #tpu.memory_space<semaphore_mem>>)
    %scan3A_144 = arith.constant 0 : i32
    %scan3A_145 = arith.constant 320 : i32
    %scan3A_146 = arith.constant 32 : i32
    %scan3A_147 = arith.addi %scan3A_145, %scan3A_146 : i32
    %scan3A_148 = arith.constant 1 : i32
    scf.for %scan3A_336 = %scan3A_145 to %scan3A_147 step %scan3A_148  : i32 {
      %shift_right_arithmetic3A = arith.constant 3 : i32
      %shift_right_arithmetic3A_337 = arith.shrsi %scan3A_336, %shift_right_arithmetic3A : i32
      %and3A = arith.constant 7 : i32
      %and3A_338 = arith.andi %scan3A_336, %and3A : i32
      %mul3A_339 = arith.constant 16 : i32
      %mul3A_340 = arith.muli %and3A_338, %mul3A_339 : i32
      %get3A = arith.constant 0 : i32
      %get3A_341 = arith.index_cast %shift_right_arithmetic3A_337 : i32 to index
      %get3A_342 = arith.index_cast %get3A : i32 to index
      %get3A_343 = arith.index_cast %mul3A_340 : i32 to index
      %get3A_344 = tpu.vector_load %arg6[%get3A_341, %get3A_342, %get3A_343] {strides = array<i32>} : memref<64x2x128xi32, #tpu.memory_space<vmem>>, vector<16xi32>,
      %get3A_345 = arith.constant 1 : i32
      %get3A_346 = arith.index_cast %shift_right_arithmetic3A_337 : i32 to index
      %get3A_347 = arith.index_cast %get3A_345 : i32 to index
      %get3A_348 = arith.index_cast %mul3A_340 : i32 to index
      %get3A_349 = tpu.vector_load %arg6[%get3A_346, %get3A_347, %get3A_348] {strides = array<i32>} : memref<64x2x128xi32, #tpu.memory_space<vmem>>, vector<16xi32>,
      %shift_right_arithmetic3A_350 = arith.constant 3 : i32
      %shift_right_arithmetic3A_351 = vector.broadcast %shift_right_arithmetic3A_350 : i32 to vector<16xi32>
      %shift_right_arithmetic3A_352 = arith.shrsi %get3A_344, %shift_right_arithmetic3A_351 : vector<16xi32>
      %mul3A_353 = arith.constant 248 : i32
      %mul3A_354 = vector.broadcast %mul3A_353 : i32 to vector<16xi32>
      %mul3A_355 = arith.muli %shift_right_arithmetic3A_352, %mul3A_354 : vector<16xi32>
      %add3A_356 = arith.addi %get3A_344, %mul3A_355 : vector<16xi32>
      %shift_left3A = arith.constant 7 : i32
      %shift_left3A_357 = vector.broadcast %shift_left3A : i32 to vector<16xi32>
      %shift_left3A_358 = arith.shli %add3A_356, %shift_left3A_357 : vector<16xi32>
      %shift_right_arithmetic3A_359 = arith.constant 7 : i32
      %shift_right_arithmetic3A_360 = vector.broadcast %shift_right_arithmetic3A_359 : i32 to vector<16xi32>
      %shift_right_arithmetic3A_361 = arith.shrsi %get3A_349, %shift_right_arithmetic3A_360 : vector<16xi32>
      %mul3A_362 = arith.constant 896 : i32
      %mul3A_363 = vector.broadcast %mul3A_362 : i32 to vector<16xi32>
      %mul3A_364 = arith.muli %shift_right_arithmetic3A_361, %mul3A_363 : vector<16xi32>
      %add3A_365 = arith.addi %get3A_349, %mul3A_364 : vector<16xi32>
      %add3A_366 = arith.addi %shift_left3A_358, %add3A_365 : vector<16xi32>
      %mul3A_367 = arith.constant 16 : i32
      %mul3A_368 = arith.muli %scan3A_336, %mul3A_367 : i32
      %swap3A = arith.index_cast %mul3A_368 : i32 to index
      %swap3A_369 = tpu.vector_load %arg8[%swap3A] {strides = array<i32>} : memref<8192xi32, #tpu.memory_space<vmem>>, vector<16xi32>,
      tpu.vector_store %arg8[%swap3A], %add3A_366 {strides = array<i32>} : memref<8192xi32, #tpu.memory_space<vmem>>, vector<16xi32>,
    }
    %scan3A_149 = arith.constant 32 : i32
    %dma_start3A_150 = arith.constant 5120 : i32
    %dma_start3A_151 = tpu.memref_slice %arg9[%dma_start3A_150] : memref<8192xf32, #tpu.memory_space<vmem>> -> memref<512xf32, #tpu.memory_space<vmem>>
    %dma_start3A_152 = arith.constant 5120 : i32
    %dma_start3A_153 = tpu.memref_slice %arg8[%dma_start3A_152] : memref<8192xi32, #tpu.memory_space<vmem>> -> memref<512xi32, #tpu.memory_space<vmem>>
    %dma_start3A_154 = arith.constant 0 : i32
    %dma_start3A_155 = tpu.memref_slice %arg2[%dma_start3A_154] : memref<16777216xf32, #tpu.memory_space<hbm>> -> memref<16777216xf32, #tpu.memory_space<hbm>>
    tpu.enqueue_indirect_dma source(%dma_start3A_155 : memref<16777216xf32, #tpu.memory_space<hbm>>) target(%dma_start3A_151 : memref<512xf32, #tpu.memory_space<vmem>>) offsets(%dma_start3A_153 : memref<512xi32, #tpu.memory_space<vmem>>) semaphore(%arg14 : memref<!tpu.dma_semaphore, #tpu.memory_space<semaphore_mem>>)
    %scan3A_156 = arith.constant 0 : i32
    %scan3A_157 = arith.constant 352 : i32
    %scan3A_158 = arith.constant 32 : i32
    %scan3A_159 = arith.addi %scan3A_157, %scan3A_158 : i32
    %scan3A_160 = arith.constant 1 : i32
    scf.for %scan3A_336 = %scan3A_157 to %scan3A_159 step %scan3A_160  : i32 {
      %shift_right_arithmetic3A = arith.constant 3 : i32
      %shift_right_arithmetic3A_337 = arith.shrsi %scan3A_336, %shift_right_arithmetic3A : i32
      %and3A = arith.constant 7 : i32
      %and3A_338 = arith.andi %scan3A_336, %and3A : i32
      %mul3A_339 = arith.constant 16 : i32
      %mul3A_340 = arith.muli %and3A_338, %mul3A_339 : i32
      %get3A = arith.constant 0 : i32
      %get3A_341 = arith.index_cast %shift_right_arithmetic3A_337 : i32 to index
      %get3A_342 = arith.index_cast %get3A : i32 to index
      %get3A_343 = arith.index_cast %mul3A_340 : i32 to index
      %get3A_344 = tpu.vector_load %arg6[%get3A_341, %get3A_342, %get3A_343] {strides = array<i32>} : memref<64x2x128xi32, #tpu.memory_space<vmem>>, vector<16xi32>,
      %get3A_345 = arith.constant 1 : i32
      %get3A_346 = arith.index_cast %shift_right_arithmetic3A_337 : i32 to index
      %get3A_347 = arith.index_cast %get3A_345 : i32 to index
      %get3A_348 = arith.index_cast %mul3A_340 : i32 to index
      %get3A_349 = tpu.vector_load %arg6[%get3A_346, %get3A_347, %get3A_348] {strides = array<i32>} : memref<64x2x128xi32, #tpu.memory_space<vmem>>, vector<16xi32>,
      %shift_right_arithmetic3A_350 = arith.constant 3 : i32
      %shift_right_arithmetic3A_351 = vector.broadcast %shift_right_arithmetic3A_350 : i32 to vector<16xi32>
      %shift_right_arithmetic3A_352 = arith.shrsi %get3A_344, %shift_right_arithmetic3A_351 : vector<16xi32>
      %mul3A_353 = arith.constant 248 : i32
      %mul3A_354 = vector.broadcast %mul3A_353 : i32 to vector<16xi32>
      %mul3A_355 = arith.muli %shift_right_arithmetic3A_352, %mul3A_354 : vector<16xi32>
      %add3A_356 = arith.addi %get3A_344, %mul3A_355 : vector<16xi32>
      %shift_left3A = arith.constant 7 : i32
      %shift_left3A_357 = vector.broadcast %shift_left3A : i32 to vector<16xi32>
      %shift_left3A_358 = arith.shli %add3A_356, %shift_left3A_357 : vector<16xi32>
      %shift_right_arithmetic3A_359 = arith.constant 7 : i32
      %shift_right_arithmetic3A_360 = vector.broadcast %shift_right_arithmetic3A_359 : i32 to vector<16xi32>
      %shift_right_arithmetic3A_361 = arith.shrsi %get3A_349, %shift_right_arithmetic3A_360 : vector<16xi32>
      %mul3A_362 = arith.constant 896 : i32
      %mul3A_363 = vector.broadcast %mul3A_362 : i32 to vector<16xi32>
      %mul3A_364 = arith.muli %shift_right_arithmetic3A_361, %mul3A_363 : vector<16xi32>
      %add3A_365 = arith.addi %get3A_349, %mul3A_364 : vector<16xi32>
      %add3A_366 = arith.addi %shift_left3A_358, %add3A_365 : vector<16xi32>
      %mul3A_367 = arith.constant 16 : i32
      %mul3A_368 = arith.muli %scan3A_336, %mul3A_367 : i32
      %swap3A = arith.index_cast %mul3A_368 : i32 to index
      %swap3A_369 = tpu.vector_load %arg8[%swap3A] {strides = array<i32>} : memref<8192xi32, #tpu.memory_space<vmem>>, vector<16xi32>,
      tpu.vector_store %arg8[%swap3A], %add3A_366 {strides = array<i32>} : memref<8192xi32, #tpu.memory_space<vmem>>, vector<16xi32>,
    }
    %scan3A_161 = arith.constant 32 : i32
    %dma_start3A_162 = arith.constant 5632 : i32
    %dma_start3A_163 = tpu.memref_slice %arg9[%dma_start3A_162] : memref<8192xf32, #tpu.memory_space<vmem>> -> memref<512xf32, #tpu.memory_space<vmem>>
    %dma_start3A_164 = arith.constant 5632 : i32
    %dma_start3A_165 = tpu.memref_slice %arg8[%dma_start3A_164] : memref<8192xi32, #tpu.memory_space<vmem>> -> memref<512xi32, #tpu.memory_space<vmem>>
    %dma_start3A_166 = arith.constant 0 : i32
    %dma_start3A_167 = tpu.memref_slice %arg2[%dma_start3A_166] : memref<16777216xf32, #tpu.memory_space<hbm>> -> memref<16777216xf32, #tpu.memory_space<hbm>>
    tpu.enqueue_indirect_dma source(%dma_start3A_167 : memref<16777216xf32, #tpu.memory_space<hbm>>) target(%dma_start3A_163 : memref<512xf32, #tpu.memory_space<vmem>>) offsets(%dma_start3A_165 : memref<512xi32, #tpu.memory_space<vmem>>) semaphore(%arg14 : memref<!tpu.dma_semaphore, #tpu.memory_space<semaphore_mem>>)
    %scan3A_168 = arith.constant 0 : i32
    %scan3A_169 = arith.constant 384 : i32
    %scan3A_170 = arith.constant 32 : i32
    %scan3A_171 = arith.addi %scan3A_169, %scan3A_170 : i32
    %scan3A_172 = arith.constant 1 : i32
    scf.for %scan3A_336 = %scan3A_169 to %scan3A_171 step %scan3A_172  : i32 {
      %shift_right_arithmetic3A = arith.constant 3 : i32
      %shift_right_arithmetic3A_337 = arith.shrsi %scan3A_336, %shift_right_arithmetic3A : i32
      %and3A = arith.constant 7 : i32
      %and3A_338 = arith.andi %scan3A_336, %and3A : i32
      %mul3A_339 = arith.constant 16 : i32
      %mul3A_340 = arith.muli %and3A_338, %mul3A_339 : i32
      %get3A = arith.constant 0 : i32
      %get3A_341 = arith.index_cast %shift_right_arithmetic3A_337 : i32 to index
      %get3A_342 = arith.index_cast %get3A : i32 to index
      %get3A_343 = arith.index_cast %mul3A_340 : i32 to index
      %get3A_344 = tpu.vector_load %arg6[%get3A_341, %get3A_342, %get3A_343] {strides = array<i32>} : memref<64x2x128xi32, #tpu.memory_space<vmem>>, vector<16xi32>,
      %get3A_345 = arith.constant 1 : i32
      %get3A_346 = arith.index_cast %shift_right_arithmetic3A_337 : i32 to index
      %get3A_347 = arith.index_cast %get3A_345 : i32 to index
      %get3A_348 = arith.index_cast %mul3A_340 : i32 to index
      %get3A_349 = tpu.vector_load %arg6[%get3A_346, %get3A_347, %get3A_348] {strides = array<i32>} : memref<64x2x128xi32, #tpu.memory_space<vmem>>, vector<16xi32>,
      %shift_right_arithmetic3A_350 = arith.constant 3 : i32
      %shift_right_arithmetic3A_351 = vector.broadcast %shift_right_arithmetic3A_350 : i32 to vector<16xi32>
      %shift_right_arithmetic3A_352 = arith.shrsi %get3A_344, %shift_right_arithmetic3A_351 : vector<16xi32>
      %mul3A_353 = arith.constant 248 : i32
      %mul3A_354 = vector.broadcast %mul3A_353 : i32 to vector<16xi32>
      %mul3A_355 = arith.muli %shift_right_arithmetic3A_352, %mul3A_354 : vector<16xi32>
      %add3A_356 = arith.addi %get3A_344, %mul3A_355 : vector<16xi32>
      %shift_left3A = arith.constant 7 : i32
      %shift_left3A_357 = vector.broadcast %shift_left3A : i32 to vector<16xi32>
      %shift_left3A_358 = arith.shli %add3A_356, %shift_left3A_357 : vector<16xi32>
      %shift_right_arithmetic3A_359 = arith.constant 7 : i32
      %shift_right_arithmetic3A_360 = vector.broadcast %shift_right_arithmetic3A_359 : i32 to vector<16xi32>
      %shift_right_arithmetic3A_361 = arith.shrsi %get3A_349, %shift_right_arithmetic3A_360 : vector<16xi32>
      %mul3A_362 = arith.constant 896 : i32
      %mul3A_363 = vector.broadcast %mul3A_362 : i32 to vector<16xi32>
      %mul3A_364 = arith.muli %shift_right_arithmetic3A_361, %mul3A_363 : vector<16xi32>
      %add3A_365 = arith.addi %get3A_349, %mul3A_364 : vector<16xi32>
      %add3A_366 = arith.addi %shift_left3A_358, %add3A_365 : vector<16xi32>
      %mul3A_367 = arith.constant 16 : i32
      %mul3A_368 = arith.muli %scan3A_336, %mul3A_367 : i32
      %swap3A = arith.index_cast %mul3A_368 : i32 to index
      %swap3A_369 = tpu.vector_load %arg8[%swap3A] {strides = array<i32>} : memref<8192xi32, #tpu.memory_space<vmem>>, vector<16xi32>,
      tpu.vector_store %arg8[%swap3A], %add3A_366 {strides = array<i32>} : memref<8192xi32, #tpu.memory_space<vmem>>, vector<16xi32>,
    }
    %scan3A_173 = arith.constant 32 : i32
    %dma_start3A_174 = arith.constant 6144 : i32
    %dma_start3A_175 = tpu.memref_slice %arg9[%dma_start3A_174] : memref<8192xf32, #tpu.memory_space<vmem>> -> memref<512xf32, #tpu.memory_space<vmem>>
    %dma_start3A_176 = arith.constant 6144 : i32
    %dma_start3A_177 = tpu.memref_slice %arg8[%dma_start3A_176] : memref<8192xi32, #tpu.memory_space<vmem>> -> memref<512xi32, #tpu.memory_space<vmem>>
    %dma_start3A_178 = arith.constant 0 : i32
    %dma_start3A_179 = tpu.memref_slice %arg2[%dma_start3A_178] : memref<16777216xf32, #tpu.memory_space<hbm>> -> memref<16777216xf32, #tpu.memory_space<hbm>>
    tpu.enqueue_indirect_dma source(%dma_start3A_179 : memref<16777216xf32, #tpu.memory_space<hbm>>) target(%dma_start3A_175 : memref<512xf32, #tpu.memory_space<vmem>>) offsets(%dma_start3A_177 : memref<512xi32, #tpu.memory_space<vmem>>) semaphore(%arg15 : memref<!tpu.dma_semaphore, #tpu.memory_space<semaphore_mem>>)
    %scan3A_180 = arith.constant 0 : i32
    %scan3A_181 = arith.constant 416 : i32
    %scan3A_182 = arith.constant 32 : i32
    %scan3A_183 = arith.addi %scan3A_181, %scan3A_182 : i32
    %scan3A_184 = arith.constant 1 : i32
    scf.for %scan3A_336 = %scan3A_181 to %scan3A_183 step %scan3A_184  : i32 {
      %shift_right_arithmetic3A = arith.constant 3 : i32
      %shift_right_arithmetic3A_337 = arith.shrsi %scan3A_336, %shift_right_arithmetic3A : i32
      %and3A = arith.constant 7 : i32
      %and3A_338 = arith.andi %scan3A_336, %and3A : i32
      %mul3A_339 = arith.constant 16 : i32
      %mul3A_340 = arith.muli %and3A_338, %mul3A_339 : i32
      %get3A = arith.constant 0 : i32
      %get3A_341 = arith.index_cast %shift_right_arithmetic3A_337 : i32 to index
      %get3A_342 = arith.index_cast %get3A : i32 to index
      %get3A_343 = arith.index_cast %mul3A_340 : i32 to index
      %get3A_344 = tpu.vector_load %arg6[%get3A_341, %get3A_342, %get3A_343] {strides = array<i32>} : memref<64x2x128xi32, #tpu.memory_space<vmem>>, vector<16xi32>,
      %get3A_345 = arith.constant 1 : i32
      %get3A_346 = arith.index_cast %shift_right_arithmetic3A_337 : i32 to index
      %get3A_347 = arith.index_cast %get3A_345 : i32 to index
      %get3A_348 = arith.index_cast %mul3A_340 : i32 to index
      %get3A_349 = tpu.vector_load %arg6[%get3A_346, %get3A_347, %get3A_348] {strides = array<i32>} : memref<64x2x128xi32, #tpu.memory_space<vmem>>, vector<16xi32>,
      %shift_right_arithmetic3A_350 = arith.constant 3 : i32
      %shift_right_arithmetic3A_351 = vector.broadcast %shift_right_arithmetic3A_350 : i32 to vector<16xi32>
      %shift_right_arithmetic3A_352 = arith.shrsi %get3A_344, %shift_right_arithmetic3A_351 : vector<16xi32>
      %mul3A_353 = arith.constant 248 : i32
      %mul3A_354 = vector.broadcast %mul3A_353 : i32 to vector<16xi32>
      %mul3A_355 = arith.muli %shift_right_arithmetic3A_352, %mul3A_354 : vector<16xi32>
      %add3A_356 = arith.addi %get3A_344, %mul3A_355 : vector<16xi32>
      %shift_left3A = arith.constant 7 : i32
      %shift_left3A_357 = vector.broadcast %shift_left3A : i32 to vector<16xi32>
      %shift_left3A_358 = arith.shli %add3A_356, %shift_left3A_357 : vector<16xi32>
      %shift_right_arithmetic3A_359 = arith.constant 7 : i32
      %shift_right_arithmetic3A_360 = vector.broadcast %shift_right_arithmetic3A_359 : i32 to vector<16xi32>
      %shift_right_arithmetic3A_361 = arith.shrsi %get3A_349, %shift_right_arithmetic3A_360 : vector<16xi32>
      %mul3A_362 = arith.constant 896 : i32
      %mul3A_363 = vector.broadcast %mul3A_362 : i32 to vector<16xi32>
      %mul3A_364 = arith.muli %shift_right_arithmetic3A_361, %mul3A_363 : vector<16xi32>
      %add3A_365 = arith.addi %get3A_349, %mul3A_364 : vector<16xi32>
      %add3A_366 = arith.addi %shift_left3A_358, %add3A_365 : vector<16xi32>
      %mul3A_367 = arith.constant 16 : i32
      %mul3A_368 = arith.muli %scan3A_336, %mul3A_367 : i32
      %swap3A = arith.index_cast %mul3A_368 : i32 to index
      %swap3A_369 = tpu.vector_load %arg8[%swap3A] {strides = array<i32>} : memref<8192xi32, #tpu.memory_space<vmem>>, vector<16xi32>,
      tpu.vector_store %arg8[%swap3A], %add3A_366 {strides = array<i32>} : memref<8192xi32, #tpu.memory_space<vmem>>, vector<16xi32>,
    }
    %scan3A_185 = arith.constant 32 : i32
    %dma_start3A_186 = arith.constant 6656 : i32
    %dma_start3A_187 = tpu.memref_slice %arg9[%dma_start3A_186] : memref<8192xf32, #tpu.memory_space<vmem>> -> memref<512xf32, #tpu.memory_space<vmem>>
    %dma_start3A_188 = arith.constant 6656 : i32
    %dma_start3A_189 = tpu.memref_slice %arg8[%dma_start3A_188] : memref<8192xi32, #tpu.memory_space<vmem>> -> memref<512xi32, #tpu.memory_space<vmem>>
    %dma_start3A_190 = arith.constant 0 : i32
    %dma_start3A_191 = tpu.memref_slice %arg2[%dma_start3A_190] : memref<16777216xf32, #tpu.memory_space<hbm>> -> memref<16777216xf32, #tpu.memory_space<hbm>>
    tpu.enqueue_indirect_dma source(%dma_start3A_191 : memref<16777216xf32, #tpu.memory_space<hbm>>) target(%dma_start3A_187 : memref<512xf32, #tpu.memory_space<vmem>>) offsets(%dma_start3A_189 : memref<512xi32, #tpu.memory_space<vmem>>) semaphore(%arg15 : memref<!tpu.dma_semaphore, #tpu.memory_space<semaphore_mem>>)
    %scan3A_192 = arith.constant 0 : i32
    %scan3A_193 = arith.constant 448 : i32
    %scan3A_194 = arith.constant 32 : i32
    %scan3A_195 = arith.addi %scan3A_193, %scan3A_194 : i32
    %scan3A_196 = arith.constant 1 : i32
    scf.for %scan3A_336 = %scan3A_193 to %scan3A_195 step %scan3A_196  : i32 {
      %shift_right_arithmetic3A = arith.constant 3 : i32
      %shift_right_arithmetic3A_337 = arith.shrsi %scan3A_336, %shift_right_arithmetic3A : i32
      %and3A = arith.constant 7 : i32
      %and3A_338 = arith.andi %scan3A_336, %and3A : i32
      %mul3A_339 = arith.constant 16 : i32
      %mul3A_340 = arith.muli %and3A_338, %mul3A_339 : i32
      %get3A = arith.constant 0 : i32
      %get3A_341 = arith.index_cast %shift_right_arithmetic3A_337 : i32 to index
      %get3A_342 = arith.index_cast %get3A : i32 to index
      %get3A_343 = arith.index_cast %mul3A_340 : i32 to index
      %get3A_344 = tpu.vector_load %arg6[%get3A_341, %get3A_342, %get3A_343] {strides = array<i32>} : memref<64x2x128xi32, #tpu.memory_space<vmem>>, vector<16xi32>,
      %get3A_345 = arith.constant 1 : i32
      %get3A_346 = arith.index_cast %shift_right_arithmetic3A_337 : i32 to index
      %get3A_347 = arith.index_cast %get3A_345 : i32 to index
      %get3A_348 = arith.index_cast %mul3A_340 : i32 to index
      %get3A_349 = tpu.vector_load %arg6[%get3A_346, %get3A_347, %get3A_348] {strides = array<i32>} : memref<64x2x128xi32, #tpu.memory_space<vmem>>, vector<16xi32>,
      %shift_right_arithmetic3A_350 = arith.constant 3 : i32
      %shift_right_arithmetic3A_351 = vector.broadcast %shift_right_arithmetic3A_350 : i32 to vector<16xi32>
      %shift_right_arithmetic3A_352 = arith.shrsi %get3A_344, %shift_right_arithmetic3A_351 : vector<16xi32>
      %mul3A_353 = arith.constant 248 : i32
      %mul3A_354 = vector.broadcast %mul3A_353 : i32 to vector<16xi32>
      %mul3A_355 = arith.muli %shift_right_arithmetic3A_352, %mul3A_354 : vector<16xi32>
      %add3A_356 = arith.addi %get3A_344, %mul3A_355 : vector<16xi32>
      %shift_left3A = arith.constant 7 : i32
      %shift_left3A_357 = vector.broadcast %shift_left3A : i32 to vector<16xi32>
      %shift_left3A_358 = arith.shli %add3A_356, %shift_left3A_357 : vector<16xi32>
      %shift_right_arithmetic3A_359 = arith.constant 7 : i32
      %shift_right_arithmetic3A_360 = vector.broadcast %shift_right_arithmetic3A_359 : i32 to vector<16xi32>
      %shift_right_arithmetic3A_361 = arith.shrsi %get3A_349, %shift_right_arithmetic3A_360 : vector<16xi32>
      %mul3A_362 = arith.constant 896 : i32
      %mul3A_363 = vector.broadcast %mul3A_362 : i32 to vector<16xi32>
      %mul3A_364 = arith.muli %shift_right_arithmetic3A_361, %mul3A_363 : vector<16xi32>
      %add3A_365 = arith.addi %get3A_349, %mul3A_364 : vector<16xi32>
      %add3A_366 = arith.addi %shift_left3A_358, %add3A_365 : vector<16xi32>
      %mul3A_367 = arith.constant 16 : i32
      %mul3A_368 = arith.muli %scan3A_336, %mul3A_367 : i32
      %swap3A = arith.index_cast %mul3A_368 : i32 to index
      %swap3A_369 = tpu.vector_load %arg8[%swap3A] {strides = array<i32>} : memref<8192xi32, #tpu.memory_space<vmem>>, vector<16xi32>,
      tpu.vector_store %arg8[%swap3A], %add3A_366 {strides = array<i32>} : memref<8192xi32, #tpu.memory_space<vmem>>, vector<16xi32>,
    }
    %scan3A_197 = arith.constant 32 : i32
    %dma_start3A_198 = arith.constant 7168 : i32
    %dma_start3A_199 = tpu.memref_slice %arg9[%dma_start3A_198] : memref<8192xf32, #tpu.memory_space<vmem>> -> memref<512xf32, #tpu.memory_space<vmem>>
    %dma_start3A_200 = arith.constant 7168 : i32
    %dma_start3A_201 = tpu.memref_slice %arg8[%dma_start3A_200] : memref<8192xi32, #tpu.memory_space<vmem>> -> memref<512xi32, #tpu.memory_space<vmem>>
    %dma_start3A_202 = arith.constant 0 : i32
    %dma_start3A_203 = tpu.memref_slice %arg2[%dma_start3A_202] : memref<16777216xf32, #tpu.memory_space<hbm>> -> memref<16777216xf32, #tpu.memory_space<hbm>>
    tpu.enqueue_indirect_dma source(%dma_start3A_203 : memref<16777216xf32, #tpu.memory_space<hbm>>) target(%dma_start3A_199 : memref<512xf32, #tpu.memory_space<vmem>>) offsets(%dma_start3A_201 : memref<512xi32, #tpu.memory_space<vmem>>) semaphore(%arg15 : memref<!tpu.dma_semaphore, #tpu.memory_space<semaphore_mem>>)
    %scan3A_204 = arith.constant 0 : i32
    %scan3A_205 = arith.constant 480 : i32
    %scan3A_206 = arith.constant 32 : i32
    %scan3A_207 = arith.addi %scan3A_205, %scan3A_206 : i32
    %scan3A_208 = arith.constant 1 : i32
    scf.for %scan3A_336 = %scan3A_205 to %scan3A_207 step %scan3A_208  : i32 {
      %shift_right_arithmetic3A = arith.constant 3 : i32
      %shift_right_arithmetic3A_337 = arith.shrsi %scan3A_336, %shift_right_arithmetic3A : i32
      %and3A = arith.constant 7 : i32
      %and3A_338 = arith.andi %scan3A_336, %and3A : i32
      %mul3A_339 = arith.constant 16 : i32
      %mul3A_340 = arith.muli %and3A_338, %mul3A_339 : i32
      %get3A = arith.constant 0 : i32
      %get3A_341 = arith.index_cast %shift_right_arithmetic3A_337 : i32 to index
      %get3A_342 = arith.index_cast %get3A : i32 to index
      %get3A_343 = arith.index_cast %mul3A_340 : i32 to index
      %get3A_344 = tpu.vector_load %arg6[%get3A_341, %get3A_342, %get3A_343] {strides = array<i32>} : memref<64x2x128xi32, #tpu.memory_space<vmem>>, vector<16xi32>,
      %get3A_345 = arith.constant 1 : i32
      %get3A_346 = arith.index_cast %shift_right_arithmetic3A_337 : i32 to index
      %get3A_347 = arith.index_cast %get3A_345 : i32 to index
      %get3A_348 = arith.index_cast %mul3A_340 : i32 to index
      %get3A_349 = tpu.vector_load %arg6[%get3A_346, %get3A_347, %get3A_348] {strides = array<i32>} : memref<64x2x128xi32, #tpu.memory_space<vmem>>, vector<16xi32>,
      %shift_right_arithmetic3A_350 = arith.constant 3 : i32
      %shift_right_arithmetic3A_351 = vector.broadcast %shift_right_arithmetic3A_350 : i32 to vector<16xi32>
      %shift_right_arithmetic3A_352 = arith.shrsi %get3A_344, %shift_right_arithmetic3A_351 : vector<16xi32>
      %mul3A_353 = arith.constant 248 : i32
      %mul3A_354 = vector.broadcast %mul3A_353 : i32 to vector<16xi32>
      %mul3A_355 = arith.muli %shift_right_arithmetic3A_352, %mul3A_354 : vector<16xi32>
      %add3A_356 = arith.addi %get3A_344, %mul3A_355 : vector<16xi32>
      %shift_left3A = arith.constant 7 : i32
      %shift_left3A_357 = vector.broadcast %shift_left3A : i32 to vector<16xi32>
      %shift_left3A_358 = arith.shli %add3A_356, %shift_left3A_357 : vector<16xi32>
      %shift_right_arithmetic3A_359 = arith.constant 7 : i32
      %shift_right_arithmetic3A_360 = vector.broadcast %shift_right_arithmetic3A_359 : i32 to vector<16xi32>
      %shift_right_arithmetic3A_361 = arith.shrsi %get3A_349, %shift_right_arithmetic3A_360 : vector<16xi32>
      %mul3A_362 = arith.constant 896 : i32
      %mul3A_363 = vector.broadcast %mul3A_362 : i32 to vector<16xi32>
      %mul3A_364 = arith.muli %shift_right_arithmetic3A_361, %mul3A_363 : vector<16xi32>
      %add3A_365 = arith.addi %get3A_349, %mul3A_364 : vector<16xi32>
      %add3A_366 = arith.addi %shift_left3A_358, %add3A_365 : vector<16xi32>
      %mul3A_367 = arith.constant 16 : i32
      %mul3A_368 = arith.muli %scan3A_336, %mul3A_367 : i32
      %swap3A = arith.index_cast %mul3A_368 : i32 to index
      %swap3A_369 = tpu.vector_load %arg8[%swap3A] {strides = array<i32>} : memref<8192xi32, #tpu.memory_space<vmem>>, vector<16xi32>,
      tpu.vector_store %arg8[%swap3A], %add3A_366 {strides = array<i32>} : memref<8192xi32, #tpu.memory_space<vmem>>, vector<16xi32>,
    }
    %scan3A_209 = arith.constant 32 : i32
    %dma_start3A_210 = arith.constant 7680 : i32
    %dma_start3A_211 = tpu.memref_slice %arg9[%dma_start3A_210] : memref<8192xf32, #tpu.memory_space<vmem>> -> memref<512xf32, #tpu.memory_space<vmem>>
    %dma_start3A_212 = arith.constant 7680 : i32
    %dma_start3A_213 = tpu.memref_slice %arg8[%dma_start3A_212] : memref<8192xi32, #tpu.memory_space<vmem>> -> memref<512xi32, #tpu.memory_space<vmem>>
    %dma_start3A_214 = arith.constant 0 : i32
    %dma_start3A_215 = tpu.memref_slice %arg2[%dma_start3A_214] : memref<16777216xf32, #tpu.memory_space<hbm>> -> memref<16777216xf32, #tpu.memory_space<hbm>>
    tpu.enqueue_indirect_dma source(%dma_start3A_215 : memref<16777216xf32, #tpu.memory_space<hbm>>) target(%dma_start3A_211 : memref<512xf32, #tpu.memory_space<vmem>>) offsets(%dma_start3A_213 : memref<512xi32, #tpu.memory_space<vmem>>) semaphore(%arg15 : memref<!tpu.dma_semaphore, #tpu.memory_space<semaphore_mem>>)
    %dma_wait3A_216 = arith.constant 0 : i32
    %dma_wait3A_217 = tpu.memref_slice %arg9[%dma_wait3A_216] : memref<8192xf32, #tpu.memory_space<vmem>> -> memref<512xf32, #tpu.memory_space<vmem>>
    %dma_wait3A_218 = arith.constant 0 : i32
    %dma_wait3A_219 = tpu.memref_slice %arg8[%dma_wait3A_218] : memref<8192xi32, #tpu.memory_space<vmem>> -> memref<512xi32, #tpu.memory_space<vmem>>
    %dma_wait3A_220 = arith.constant 0 : i32
    %dma_wait3A_221 = tpu.memref_slice %arg2[%dma_wait3A_220] : memref<16777216xf32, #tpu.memory_space<hbm>> -> memref<16777216xf32, #tpu.memory_space<hbm>>
    tpu.wait_indirect_dma semaphore(%arg12 : memref<!tpu.dma_semaphore, #tpu.memory_space<semaphore_mem>>) src(%dma_wait3A_221 : memref<16777216xf32, #tpu.memory_space<hbm>>) dst(%dma_wait3A_217 : memref<512xf32, #tpu.memory_space<vmem>>)
    %dma_wait3A_222 = arith.constant 512 : i32
    %dma_wait3A_223 = tpu.memref_slice %arg9[%dma_wait3A_222] : memref<8192xf32, #tpu.memory_space<vmem>> -> memref<512xf32, #tpu.memory_space<vmem>>
    %dma_wait3A_224 = arith.constant 512 : i32
    %dma_wait3A_225 = tpu.memref_slice %arg8[%dma_wait3A_224] : memref<8192xi32, #tpu.memory_space<vmem>> -> memref<512xi32, #tpu.memory_space<vmem>>
    %dma_wait3A_226 = arith.constant 0 : i32
    %dma_wait3A_227 = tpu.memref_slice %arg2[%dma_wait3A_226] : memref<16777216xf32, #tpu.memory_space<hbm>> -> memref<16777216xf32, #tpu.memory_space<hbm>>
    tpu.wait_indirect_dma semaphore(%arg12 : memref<!tpu.dma_semaphore, #tpu.memory_space<semaphore_mem>>) src(%dma_wait3A_227 : memref<16777216xf32, #tpu.memory_space<hbm>>) dst(%dma_wait3A_223 : memref<512xf32, #tpu.memory_space<vmem>>)
    %dma_wait3A_228 = arith.constant 1024 : i32
    %dma_wait3A_229 = tpu.memref_slice %arg9[%dma_wait3A_228] : memref<8192xf32, #tpu.memory_space<vmem>> -> memref<512xf32, #tpu.memory_space<vmem>>
    %dma_wait3A_230 = arith.constant 1024 : i32
    %dma_wait3A_231 = tpu.memref_slice %arg8[%dma_wait3A_230] : memref<8192xi32, #tpu.memory_space<vmem>> -> memref<512xi32, #tpu.memory_space<vmem>>
    %dma_wait3A_232 = arith.constant 0 : i32
    %dma_wait3A_233 = tpu.memref_slice %arg2[%dma_wait3A_232] : memref<16777216xf32, #tpu.memory_space<hbm>> -> memref<16777216xf32, #tpu.memory_space<hbm>>
    tpu.wait_indirect_dma semaphore(%arg12 : memref<!tpu.dma_semaphore, #tpu.memory_space<semaphore_mem>>) src(%dma_wait3A_233 : memref<16777216xf32, #tpu.memory_space<hbm>>) dst(%dma_wait3A_229 : memref<512xf32, #tpu.memory_space<vmem>>)
    %dma_wait3A_234 = arith.constant 1536 : i32
    %dma_wait3A_235 = tpu.memref_slice %arg9[%dma_wait3A_234] : memref<8192xf32, #tpu.memory_space<vmem>> -> memref<512xf32, #tpu.memory_space<vmem>>
    %dma_wait3A_236 = arith.constant 1536 : i32
    %dma_wait3A_237 = tpu.memref_slice %arg8[%dma_wait3A_236] : memref<8192xi32, #tpu.memory_space<vmem>> -> memref<512xi32, #tpu.memory_space<vmem>>
    %dma_wait3A_238 = arith.constant 0 : i32
    %dma_wait3A_239 = tpu.memref_slice %arg2[%dma_wait3A_238] : memref<16777216xf32, #tpu.memory_space<hbm>> -> memref<16777216xf32, #tpu.memory_space<hbm>>
    tpu.wait_indirect_dma semaphore(%arg12 : memref<!tpu.dma_semaphore, #tpu.memory_space<semaphore_mem>>) src(%dma_wait3A_239 : memref<16777216xf32, #tpu.memory_space<hbm>>) dst(%dma_wait3A_235 : memref<512xf32, #tpu.memory_space<vmem>>)
    %scan3A_240 = arith.constant 0 : i32
    %scan3A_241 = arith.constant 0 : i32
    %scan3A_242 = arith.constant 128 : i32
    %scan3A_243 = arith.addi %scan3A_241, %scan3A_242 : i32
    %scan3A_244 = arith.constant 1 : i32
    scf.for %scan3A_336 = %scan3A_241 to %scan3A_243 step %scan3A_244  : i32 {
      %shift_right_arithmetic3A = arith.constant 3 : i32
      %shift_right_arithmetic3A_337 = arith.shrsi %scan3A_336, %shift_right_arithmetic3A : i32
      %and3A = arith.constant 7 : i32
      %and3A_338 = arith.andi %scan3A_336, %and3A : i32
      %mul3A_339 = arith.constant 16 : i32
      %mul3A_340 = arith.muli %and3A_338, %mul3A_339 : i32
      %mul3A_341 = arith.constant 16 : i32
      %mul3A_342 = arith.muli %scan3A_336, %mul3A_341 : i32
      %get3A = arith.constant 0 : i32
      %get3A_343 = arith.index_cast %shift_right_arithmetic3A_337 : i32 to index
      %get3A_344 = arith.index_cast %get3A : i32 to index
      %get3A_345 = arith.index_cast %mul3A_340 : i32 to index
      %get3A_346 = tpu.vector_load %arg6[%get3A_343, %get3A_344, %get3A_345] {strides = array<i32>} : memref<64x2x128xi32, #tpu.memory_space<vmem>>, vector<16xi32>,
      %get3A_347 = arith.index_cast %mul3A_342 : i32 to index
      %get3A_348 = tpu.vector_load %arg9[%get3A_347] {strides = array<i32>} : memref<8192xf32, #tpu.memory_space<vmem>>, vector<16xf32>,
      %get3A_349 = arith.index_cast %mul3A_342 : i32 to index
      %get3A_350 = tpu.vector_load %arg7[%get3A_349] {strides = array<i32>} : memref<8192xf32, #tpu.memory_space<vmem>>, vector<16xf32>,
      %mul3A_351 = arith.mulf %get3A_348, %get3A_350 : vector<16xf32>
      tpu.vector_store_idx %arg10[%get3A_346], %mul3A_351 {add = true} : memref<4096xf32, #tpu.memory_space<vmem>>[vector<16xi32>], vector<16xf32>,
    }
    %scan3A_245 = arith.constant 128 : i32
    %dma_wait3A_246 = arith.constant 2048 : i32
    %dma_wait3A_247 = tpu.memref_slice %arg9[%dma_wait3A_246] : memref<8192xf32, #tpu.memory_space<vmem>> -> memref<512xf32, #tpu.memory_space<vmem>>
    %dma_wait3A_248 = arith.constant 2048 : i32
    %dma_wait3A_249 = tpu.memref_slice %arg8[%dma_wait3A_248] : memref<8192xi32, #tpu.memory_space<vmem>> -> memref<512xi32, #tpu.memory_space<vmem>>
    %dma_wait3A_250 = arith.constant 0 : i32
    %dma_wait3A_251 = tpu.memref_slice %arg2[%dma_wait3A_250] : memref<16777216xf32, #tpu.memory_space<hbm>> -> memref<16777216xf32, #tpu.memory_space<hbm>>
    tpu.wait_indirect_dma semaphore(%arg13 : memref<!tpu.dma_semaphore, #tpu.memory_space<semaphore_mem>>) src(%dma_wait3A_251 : memref<16777216xf32, #tpu.memory_space<hbm>>) dst(%dma_wait3A_247 : memref<512xf32, #tpu.memory_space<vmem>>)
    %dma_wait3A_252 = arith.constant 2560 : i32
    %dma_wait3A_253 = tpu.memref_slice %arg9[%dma_wait3A_252] : memref<8192xf32, #tpu.memory_space<vmem>> -> memref<512xf32, #tpu.memory_space<vmem>>
    %dma_wait3A_254 = arith.constant 2560 : i32
    %dma_wait3A_255 = tpu.memref_slice %arg8[%dma_wait3A_254] : memref<8192xi32, #tpu.memory_space<vmem>> -> memref<512xi32, #tpu.memory_space<vmem>>
    %dma_wait3A_256 = arith.constant 0 : i32
    %dma_wait3A_257 = tpu.memref_slice %arg2[%dma_wait3A_256] : memref<16777216xf32, #tpu.memory_space<hbm>> -> memref<16777216xf32, #tpu.memory_space<hbm>>
    tpu.wait_indirect_dma semaphore(%arg13 : memref<!tpu.dma_semaphore, #tpu.memory_space<semaphore_mem>>) src(%dma_wait3A_257 : memref<16777216xf32, #tpu.memory_space<hbm>>) dst(%dma_wait3A_253 : memref<512xf32, #tpu.memory_space<vmem>>)
    %dma_wait3A_258 = arith.constant 3072 : i32
    %dma_wait3A_259 = tpu.memref_slice %arg9[%dma_wait3A_258] : memref<8192xf32, #tpu.memory_space<vmem>> -> memref<512xf32, #tpu.memory_space<vmem>>
    %dma_wait3A_260 = arith.constant 3072 : i32
    %dma_wait3A_261 = tpu.memref_slice %arg8[%dma_wait3A_260] : memref<8192xi32, #tpu.memory_space<vmem>> -> memref<512xi32, #tpu.memory_space<vmem>>
    %dma_wait3A_262 = arith.constant 0 : i32
    %dma_wait3A_263 = tpu.memref_slice %arg2[%dma_wait3A_262] : memref<16777216xf32, #tpu.memory_space<hbm>> -> memref<16777216xf32, #tpu.memory_space<hbm>>
    tpu.wait_indirect_dma semaphore(%arg13 : memref<!tpu.dma_semaphore, #tpu.memory_space<semaphore_mem>>) src(%dma_wait3A_263 : memref<16777216xf32, #tpu.memory_space<hbm>>) dst(%dma_wait3A_259 : memref<512xf32, #tpu.memory_space<vmem>>)
    %dma_wait3A_264 = arith.constant 3584 : i32
    %dma_wait3A_265 = tpu.memref_slice %arg9[%dma_wait3A_264] : memref<8192xf32, #tpu.memory_space<vmem>> -> memref<512xf32, #tpu.memory_space<vmem>>
    %dma_wait3A_266 = arith.constant 3584 : i32
    %dma_wait3A_267 = tpu.memref_slice %arg8[%dma_wait3A_266] : memref<8192xi32, #tpu.memory_space<vmem>> -> memref<512xi32, #tpu.memory_space<vmem>>
    %dma_wait3A_268 = arith.constant 0 : i32
    %dma_wait3A_269 = tpu.memref_slice %arg2[%dma_wait3A_268] : memref<16777216xf32, #tpu.memory_space<hbm>> -> memref<16777216xf32, #tpu.memory_space<hbm>>
    tpu.wait_indirect_dma semaphore(%arg13 : memref<!tpu.dma_semaphore, #tpu.memory_space<semaphore_mem>>) src(%dma_wait3A_269 : memref<16777216xf32, #tpu.memory_space<hbm>>) dst(%dma_wait3A_265 : memref<512xf32, #tpu.memory_space<vmem>>)
    %scan3A_270 = arith.constant 0 : i32
    %scan3A_271 = arith.constant 128 : i32
    %scan3A_272 = arith.constant 128 : i32
    %scan3A_273 = arith.addi %scan3A_271, %scan3A_272 : i32
    %scan3A_274 = arith.constant 1 : i32
    scf.for %scan3A_336 = %scan3A_271 to %scan3A_273 step %scan3A_274  : i32 {
      %shift_right_arithmetic3A = arith.constant 3 : i32
      %shift_right_arithmetic3A_337 = arith.shrsi %scan3A_336, %shift_right_arithmetic3A : i32
      %and3A = arith.constant 7 : i32
      %and3A_338 = arith.andi %scan3A_336, %and3A : i32
      %mul3A_339 = arith.constant 16 : i32
      %mul3A_340 = arith.muli %and3A_338, %mul3A_339 : i32
      %mul3A_341 = arith.constant 16 : i32
      %mul3A_342 = arith.muli %scan3A_336, %mul3A_341 : i32
      %get3A = arith.constant 0 : i32
      %get3A_343 = arith.index_cast %shift_right_arithmetic3A_337 : i32 to index
      %get3A_344 = arith.index_cast %get3A : i32 to index
      %get3A_345 = arith.index_cast %mul3A_340 : i32 to index
      %get3A_346 = tpu.vector_load %arg6[%get3A_343, %get3A_344, %get3A_345] {strides = array<i32>} : memref<64x2x128xi32, #tpu.memory_space<vmem>>, vector<16xi32>,
      %get3A_347 = arith.index_cast %mul3A_342 : i32 to index
      %get3A_348 = tpu.vector_load %arg9[%get3A_347] {strides = array<i32>} : memref<8192xf32, #tpu.memory_space<vmem>>, vector<16xf32>,
      %get3A_349 = arith.index_cast %mul3A_342 : i32 to index
      %get3A_350 = tpu.vector_load %arg7[%get3A_349] {strides = array<i32>} : memref<8192xf32, #tpu.memory_space<vmem>>, vector<16xf32>,
      %mul3A_351 = arith.mulf %get3A_348, %get3A_350 : vector<16xf32>
      tpu.vector_store_idx %arg10[%get3A_346], %mul3A_351 {add = true} : memref<4096xf32, #tpu.memory_space<vmem>>[vector<16xi32>], vector<16xf32>,
    }
    %scan3A_275 = arith.constant 128 : i32
    %dma_wait3A_276 = arith.constant 4096 : i32
    %dma_wait3A_277 = tpu.memref_slice %arg9[%dma_wait3A_276] : memref<8192xf32, #tpu.memory_space<vmem>> -> memref<512xf32, #tpu.memory_space<vmem>>
    %dma_wait3A_278 = arith.constant 4096 : i32
    %dma_wait3A_279 = tpu.memref_slice %arg8[%dma_wait3A_278] : memref<8192xi32, #tpu.memory_space<vmem>> -> memref<512xi32, #tpu.memory_space<vmem>>
    %dma_wait3A_280 = arith.constant 0 : i32
    %dma_wait3A_281 = tpu.memref_slice %arg2[%dma_wait3A_280] : memref<16777216xf32, #tpu.memory_space<hbm>> -> memref<16777216xf32, #tpu.memory_space<hbm>>
    tpu.wait_indirect_dma semaphore(%arg14 : memref<!tpu.dma_semaphore, #tpu.memory_space<semaphore_mem>>) src(%dma_wait3A_281 : memref<16777216xf32, #tpu.memory_space<hbm>>) dst(%dma_wait3A_277 : memref<512xf32, #tpu.memory_space<vmem>>)
    %dma_wait3A_282 = arith.constant 4608 : i32
    %dma_wait3A_283 = tpu.memref_slice %arg9[%dma_wait3A_282] : memref<8192xf32, #tpu.memory_space<vmem>> -> memref<512xf32, #tpu.memory_space<vmem>>
    %dma_wait3A_284 = arith.constant 4608 : i32
    %dma_wait3A_285 = tpu.memref_slice %arg8[%dma_wait3A_284] : memref<8192xi32, #tpu.memory_space<vmem>> -> memref<512xi32, #tpu.memory_space<vmem>>
    %dma_wait3A_286 = arith.constant 0 : i32
    %dma_wait3A_287 = tpu.memref_slice %arg2[%dma_wait3A_286] : memref<16777216xf32, #tpu.memory_space<hbm>> -> memref<16777216xf32, #tpu.memory_space<hbm>>
    tpu.wait_indirect_dma semaphore(%arg14 : memref<!tpu.dma_semaphore, #tpu.memory_space<semaphore_mem>>) src(%dma_wait3A_287 : memref<16777216xf32, #tpu.memory_space<hbm>>) dst(%dma_wait3A_283 : memref<512xf32, #tpu.memory_space<vmem>>)
    %dma_wait3A_288 = arith.constant 5120 : i32
    %dma_wait3A_289 = tpu.memref_slice %arg9[%dma_wait3A_288] : memref<8192xf32, #tpu.memory_space<vmem>> -> memref<512xf32, #tpu.memory_space<vmem>>
    %dma_wait3A_290 = arith.constant 5120 : i32
    %dma_wait3A_291 = tpu.memref_slice %arg8[%dma_wait3A_290] : memref<8192xi32, #tpu.memory_space<vmem>> -> memref<512xi32, #tpu.memory_space<vmem>>
    %dma_wait3A_292 = arith.constant 0 : i32
    %dma_wait3A_293 = tpu.memref_slice %arg2[%dma_wait3A_292] : memref<16777216xf32, #tpu.memory_space<hbm>> -> memref<16777216xf32, #tpu.memory_space<hbm>>
    tpu.wait_indirect_dma semaphore(%arg14 : memref<!tpu.dma_semaphore, #tpu.memory_space<semaphore_mem>>) src(%dma_wait3A_293 : memref<16777216xf32, #tpu.memory_space<hbm>>) dst(%dma_wait3A_289 : memref<512xf32, #tpu.memory_space<vmem>>)
    %dma_wait3A_294 = arith.constant 5632 : i32
    %dma_wait3A_295 = tpu.memref_slice %arg9[%dma_wait3A_294] : memref<8192xf32, #tpu.memory_space<vmem>> -> memref<512xf32, #tpu.memory_space<vmem>>
    %dma_wait3A_296 = arith.constant 5632 : i32
    %dma_wait3A_297 = tpu.memref_slice %arg8[%dma_wait3A_296] : memref<8192xi32, #tpu.memory_space<vmem>> -> memref<512xi32, #tpu.memory_space<vmem>>
    %dma_wait3A_298 = arith.constant 0 : i32
    %dma_wait3A_299 = tpu.memref_slice %arg2[%dma_wait3A_298] : memref<16777216xf32, #tpu.memory_space<hbm>> -> memref<16777216xf32, #tpu.memory_space<hbm>>
    tpu.wait_indirect_dma semaphore(%arg14 : memref<!tpu.dma_semaphore, #tpu.memory_space<semaphore_mem>>) src(%dma_wait3A_299 : memref<16777216xf32, #tpu.memory_space<hbm>>) dst(%dma_wait3A_295 : memref<512xf32, #tpu.memory_space<vmem>>)
    %scan3A_300 = arith.constant 0 : i32
    %scan3A_301 = arith.constant 256 : i32
    %scan3A_302 = arith.constant 128 : i32
    %scan3A_303 = arith.addi %scan3A_301, %scan3A_302 : i32
    %scan3A_304 = arith.constant 1 : i32
    scf.for %scan3A_336 = %scan3A_301 to %scan3A_303 step %scan3A_304  : i32 {
      %shift_right_arithmetic3A = arith.constant 3 : i32
      %shift_right_arithmetic3A_337 = arith.shrsi %scan3A_336, %shift_right_arithmetic3A : i32
      %and3A = arith.constant 7 : i32
      %and3A_338 = arith.andi %scan3A_336, %and3A : i32
      %mul3A_339 = arith.constant 16 : i32
      %mul3A_340 = arith.muli %and3A_338, %mul3A_339 : i32
      %mul3A_341 = arith.constant 16 : i32
      %mul3A_342 = arith.muli %scan3A_336, %mul3A_341 : i32
      %get3A = arith.constant 0 : i32
      %get3A_343 = arith.index_cast %shift_right_arithmetic3A_337 : i32 to index
      %get3A_344 = arith.index_cast %get3A : i32 to index
      %get3A_345 = arith.index_cast %mul3A_340 : i32 to index
      %get3A_346 = tpu.vector_load %arg6[%get3A_343, %get3A_344, %get3A_345] {strides = array<i32>} : memref<64x2x128xi32, #tpu.memory_space<vmem>>, vector<16xi32>,
      %get3A_347 = arith.index_cast %mul3A_342 : i32 to index
      %get3A_348 = tpu.vector_load %arg9[%get3A_347] {strides = array<i32>} : memref<8192xf32, #tpu.memory_space<vmem>>, vector<16xf32>,
      %get3A_349 = arith.index_cast %mul3A_342 : i32 to index
      %get3A_350 = tpu.vector_load %arg7[%get3A_349] {strides = array<i32>} : memref<8192xf32, #tpu.memory_space<vmem>>, vector<16xf32>,
      %mul3A_351 = arith.mulf %get3A_348, %get3A_350 : vector<16xf32>
      tpu.vector_store_idx %arg10[%get3A_346], %mul3A_351 {add = true} : memref<4096xf32, #tpu.memory_space<vmem>>[vector<16xi32>], vector<16xf32>,
    }
    %scan3A_305 = arith.constant 128 : i32
    %dma_wait3A_306 = arith.constant 6144 : i32
    %dma_wait3A_307 = tpu.memref_slice %arg9[%dma_wait3A_306] : memref<8192xf32, #tpu.memory_space<vmem>> -> memref<512xf32, #tpu.memory_space<vmem>>
    %dma_wait3A_308 = arith.constant 6144 : i32
    %dma_wait3A_309 = tpu.memref_slice %arg8[%dma_wait3A_308] : memref<8192xi32, #tpu.memory_space<vmem>> -> memref<512xi32, #tpu.memory_space<vmem>>
    %dma_wait3A_310 = arith.constant 0 : i32
    %dma_wait3A_311 = tpu.memref_slice %arg2[%dma_wait3A_310] : memref<16777216xf32, #tpu.memory_space<hbm>> -> memref<16777216xf32, #tpu.memory_space<hbm>>
    tpu.wait_indirect_dma semaphore(%arg15 : memref<!tpu.dma_semaphore, #tpu.memory_space<semaphore_mem>>) src(%dma_wait3A_311 : memref<16777216xf32, #tpu.memory_space<hbm>>) dst(%dma_wait3A_307 : memref<512xf32, #tpu.memory_space<vmem>>)
    %dma_wait3A_312 = arith.constant 6656 : i32
    %dma_wait3A_313 = tpu.memref_slice %arg9[%dma_wait3A_312] : memref<8192xf32, #tpu.memory_space<vmem>> -> memref<512xf32, #tpu.memory_space<vmem>>
    %dma_wait3A_314 = arith.constant 6656 : i32
    %dma_wait3A_315 = tpu.memref_slice %arg8[%dma_wait3A_314] : memref<8192xi32, #tpu.memory_space<vmem>> -> memref<512xi32, #tpu.memory_space<vmem>>
    %dma_wait3A_316 = arith.constant 0 : i32
    %dma_wait3A_317 = tpu.memref_slice %arg2[%dma_wait3A_316] : memref<16777216xf32, #tpu.memory_space<hbm>> -> memref<16777216xf32, #tpu.memory_space<hbm>>
    tpu.wait_indirect_dma semaphore(%arg15 : memref<!tpu.dma_semaphore, #tpu.memory_space<semaphore_mem>>) src(%dma_wait3A_317 : memref<16777216xf32, #tpu.memory_space<hbm>>) dst(%dma_wait3A_313 : memref<512xf32, #tpu.memory_space<vmem>>)
    %dma_wait3A_318 = arith.constant 7168 : i32
    %dma_wait3A_319 = tpu.memref_slice %arg9[%dma_wait3A_318] : memref<8192xf32, #tpu.memory_space<vmem>> -> memref<512xf32, #tpu.memory_space<vmem>>
    %dma_wait3A_320 = arith.constant 7168 : i32
    %dma_wait3A_321 = tpu.memref_slice %arg8[%dma_wait3A_320] : memref<8192xi32, #tpu.memory_space<vmem>> -> memref<512xi32, #tpu.memory_space<vmem>>
    %dma_wait3A_322 = arith.constant 0 : i32
    %dma_wait3A_323 = tpu.memref_slice %arg2[%dma_wait3A_322] : memref<16777216xf32, #tpu.memory_space<hbm>> -> memref<16777216xf32, #tpu.memory_space<hbm>>
    tpu.wait_indirect_dma semaphore(%arg15 : memref<!tpu.dma_semaphore, #tpu.memory_space<semaphore_mem>>) src(%dma_wait3A_323 : memref<16777216xf32, #tpu.memory_space<hbm>>) dst(%dma_wait3A_319 : memref<512xf32, #tpu.memory_space<vmem>>)
    %dma_wait3A_324 = arith.constant 7680 : i32
    %dma_wait3A_325 = tpu.memref_slice %arg9[%dma_wait3A_324] : memref<8192xf32, #tpu.memory_space<vmem>> -> memref<512xf32, #tpu.memory_space<vmem>>
    %dma_wait3A_326 = arith.constant 7680 : i32
    %dma_wait3A_327 = tpu.memref_slice %arg8[%dma_wait3A_326] : memref<8192xi32, #tpu.memory_space<vmem>> -> memref<512xi32, #tpu.memory_space<vmem>>
    %dma_wait3A_328 = arith.constant 0 : i32
    %dma_wait3A_329 = tpu.memref_slice %arg2[%dma_wait3A_328] : memref<16777216xf32, #tpu.memory_space<hbm>> -> memref<16777216xf32, #tpu.memory_space<hbm>>
    tpu.wait_indirect_dma semaphore(%arg15 : memref<!tpu.dma_semaphore, #tpu.memory_space<semaphore_mem>>) src(%dma_wait3A_329 : memref<16777216xf32, #tpu.memory_space<hbm>>) dst(%dma_wait3A_325 : memref<512xf32, #tpu.memory_space<vmem>>)
    %scan3A_330 = arith.constant 0 : i32
    %scan3A_331 = arith.constant 384 : i32
    %scan3A_332 = arith.constant 128 : i32
    %scan3A_333 = arith.addi %scan3A_331, %scan3A_332 : i32
    %scan3A_334 = arith.constant 1 : i32
    scf.for %scan3A_336 = %scan3A_331 to %scan3A_333 step %scan3A_334  : i32 {
      %shift_right_arithmetic3A = arith.constant 3 : i32
      %shift_right_arithmetic3A_337 = arith.shrsi %scan3A_336, %shift_right_arithmetic3A : i32
      %and3A = arith.constant 7 : i32
      %and3A_338 = arith.andi %scan3A_336, %and3A : i32
      %mul3A_339 = arith.constant 16 : i32
      %mul3A_340 = arith.muli %and3A_338, %mul3A_339 : i32
      %mul3A_341 = arith.constant 16 : i32
      %mul3A_342 = arith.muli %scan3A_336, %mul3A_341 : i32
      %get3A = arith.constant 0 : i32
      %get3A_343 = arith.index_cast %shift_right_arithmetic3A_337 : i32 to index
      %get3A_344 = arith.index_cast %get3A : i32 to index
      %get3A_345 = arith.index_cast %mul3A_340 : i32 to index
      %get3A_346 = tpu.vector_load %arg6[%get3A_343, %get3A_344, %get3A_345] {strides = array<i32>} : memref<64x2x128xi32, #tpu.memory_space<vmem>>, vector<16xi32>,
      %get3A_347 = arith.index_cast %mul3A_342 : i32 to index
      %get3A_348 = tpu.vector_load %arg9[%get3A_347] {strides = array<i32>} : memref<8192xf32, #tpu.memory_space<vmem>>, vector<16xf32>,
      %get3A_349 = arith.index_cast %mul3A_342 : i32 to index
      %get3A_350 = tpu.vector_load %arg7[%get3A_349] {strides = array<i32>} : memref<8192xf32, #tpu.memory_space<vmem>>, vector<16xf32>,
      %mul3A_351 = arith.mulf %get3A_348, %get3A_350 : vector<16xf32>
      tpu.vector_store_idx %arg10[%get3A_346], %mul3A_351 {add = true} : memref<4096xf32, #tpu.memory_space<vmem>>[vector<16xi32>], vector<16xf32>,
    }
    %scan3A_335 = arith.constant 128 : i32
    "tpu.region"() ({
      %run_scoped3A = tpu.sem_alloc : memref<!tpu.dma_semaphore, #tpu.memory_space<semaphore_mem>>
      %dma_start3A_336 = arith.constant 0 : i32
      %dma_start3A_337 = tpu.memref_slice %arg5[%add3A, %dma_start3A_336] : memref<32x4096xf32, #tpu.memory_space<hbm>> -> memref<1x4096xf32, #tpu.memory_space<hbm>>
      %dma_start3A_338 = tpu.memref_squeeze %dma_start3A_337 : memref<1x4096xf32, #tpu.memory_space<hbm>> -> memref<4096xf32, #tpu.memory_space<hbm>>
      %dma_start3A_339 = arith.constant 0 : i32
      %dma_start3A_340 = tpu.memref_slice %arg5[%add3A, %dma_start3A_339] : memref<32x4096xf32, #tpu.memory_space<hbm>> -> memref<1x4096xf32, #tpu.memory_space<hbm>>
      %dma_start3A_341 = tpu.memref_squeeze %dma_start3A_340 : memref<1x4096xf32, #tpu.memory_space<hbm>> -> memref<4096xf32, #tpu.memory_space<hbm>>
      tpu.enqueue_dma source(%arg10 : memref<4096xf32, #tpu.memory_space<vmem>>) target(%dma_start3A_341 : memref<4096xf32, #tpu.memory_space<hbm>>) target_semaphore(%run_scoped3A : memref<!tpu.dma_semaphore, #tpu.memory_space<semaphore_mem>>)
      %dma_wait3A_342 = arith.constant 0 : i32
      %dma_wait3A_343 = tpu.memref_slice %arg5[%add3A, %dma_wait3A_342] : memref<32x4096xf32, #tpu.memory_space<hbm>> -> memref<1x4096xf32, #tpu.memory_space<hbm>>
      %dma_wait3A_344 = tpu.memref_squeeze %dma_wait3A_343 : memref<1x4096xf32, #tpu.memory_space<hbm>> -> memref<4096xf32, #tpu.memory_space<hbm>>
      %dma_wait3A_345 = arith.constant 0 : i32
      %dma_wait3A_346 = tpu.memref_slice %arg5[%add3A, %dma_wait3A_345] : memref<32x4096xf32, #tpu.memory_space<hbm>> -> memref<1x4096xf32, #tpu.memory_space<hbm>>
      %dma_wait3A_347 = tpu.memref_squeeze %dma_wait3A_346 : memref<1x4096xf32, #tpu.memory_space<hbm>> -> memref<4096xf32, #tpu.memory_space<hbm>>
      tpu.wait_dma2 semaphore(%run_scoped3A : memref<!tpu.dma_semaphore, #tpu.memory_space<semaphore_mem>>) src(%arg10 : memref<4096xf32, #tpu.memory_space<vmem>>) dst(%dma_wait3A_347 : memref<4096xf32, #tpu.memory_space<hbm>>)
      tpu.yield
    }) : () -> ()
    return
  }
}

module attributes {stable_mosaic.version = 14 : i64} {
  func.func @body(%arg0: memref<32x4096xf32, #tpu.memory_space<vmem>>, %arg1: memref<1x4096xf32, #tpu.memory_space<vmem>>, %arg2: memref<1x4096xf32, #tpu.memory_space<vmem>>) attributes {dimension_semantics = [], scalar_prefetch = 0 : i64, scratch_operands = 0 : i64, tpu.core_type = #tpu.core_type<tc>} {
    %get3A = arith.constant 0 : index
    %get3A_0 = arith.constant 0 : index
    %get3A_1 = vector.load %arg0[%get3A, %get3A_0] : memref<32x4096xf32, #tpu.memory_space<vmem>>, vector<32x4096xf32>
    %reduce_sum3A = arith.constant dense<0.000000e+00> : vector<4096xf32>
    %reduce_sum3A_2 = vector.multi_reduction <add>, %get3A_1, %reduce_sum3A [0] : vector<32x4096xf32> to vector<4096xf32>
    %broadcast_in_dim3A = vector.shape_cast %reduce_sum3A_2 : vector<4096xf32> to vector<1x4096xf32>
    %swap3A = arith.constant 0 : index
    %swap3A_3 = arith.constant 0 : index
    %swap3A_4 = vector.load %arg1[%swap3A, %swap3A_3] : memref<1x4096xf32, #tpu.memory_space<vmem>>, vector<1x4096xf32>
    tpu.vector_store %arg1[%swap3A, %swap3A_3], %broadcast_in_dim3A {strides = array<i32>} : memref<1x4096xf32, #tpu.memory_space<vmem>>, vector<1x4096xf32>,
    %reduce_max3A = vector.shape_cast %broadcast_in_dim3A : vector<1x4096xf32> to vector<1x1x4096xf32>
    %reduce_max3A_5 = arith.constant dense<0xFF800000> : vector<1xf32>
    %reduce_max3A_6 = vector.multi_reduction <maximumf>, %reduce_max3A, %reduce_max3A_5 [1, 2] : vector<1x1x4096xf32> to vector<1xf32>
    %reduce_max3A_7 = vector.shape_cast %reduce_max3A_6 : vector<1xf32> to vector<1x1x1xf32>
    %reduce_max3A_8 = vector.extract %reduce_max3A_7[0, 0, 0] : f32 from vector<1x1x1xf32>
    %sub3A = vector.broadcast %reduce_max3A_8 : f32 to vector<1x4096xf32>
    %sub3A_9 = arith.subf %broadcast_in_dim3A, %sub3A : vector<1x4096xf32>
    %exp3A = math.exp %sub3A_9 : vector<1x4096xf32>
    %reduce_sum3A_10 = vector.shape_cast %exp3A : vector<1x4096xf32> to vector<1x1x4096xf32>
    %reduce_sum3A_11 = arith.constant dense<0.000000e+00> : vector<1xf32>
    %reduce_sum3A_12 = vector.multi_reduction <add>, %reduce_sum3A_10, %reduce_sum3A_11 [1, 2] : vector<1x1x4096xf32> to vector<1xf32>
    %reduce_sum3A_13 = vector.shape_cast %reduce_sum3A_12 : vector<1xf32> to vector<1x1x1xf32>
    %reduce_sum3A_14 = vector.extract %reduce_sum3A_13[0, 0, 0] : f32 from vector<1x1x1xf32>
    %div3A = vector.broadcast %reduce_sum3A_14 : f32 to vector<1x4096xf32>
    %div3A_15 = arith.divf %exp3A, %div3A : vector<1x4096xf32>
    %swap3A_16 = arith.constant 0 : index
    %swap3A_17 = arith.constant 0 : index
    %swap3A_18 = vector.load %arg2[%swap3A_16, %swap3A_17] : memref<1x4096xf32, #tpu.memory_space<vmem>>, vector<1x4096xf32>
    tpu.vector_store %arg2[%swap3A_16, %swap3A_17], %div3A_15 {strides = array<i32>} : memref<1x4096xf32, #tpu.memory_space<vmem>>, vector<1x4096xf32>,
    return
  }
}

</mosaic_0001>

<sc_bundles>
// kernel: kernel.4.cloned.1.call-start
scs
__scs_entry_jumppad:
0x0: {  	(pc) =	sbr.rel $0x88, $3  }
0x1: {  	(tag) =	ssettag $0x0;
	lr =	simm.s32 $0x1  }
0x2: {  	[smem:$0x3F9E] =	sst lr;
	_ =	strace $0xD0000000  }
0x3: {  	_ = 	snop  }
0x4: {  	_ = 	snop  }
0x5: {  	_ = 	snop  }
0x6: {  	_ = 	snop  }
0x7: {  	_ = 	snop  }
__scs_overlays_trampoline_lowered:
0x8: {  	[smem:$0x3FAD] =	sst s0  }
0x9: {  	[smem:$0x3FAE] =	sst s1  }
0xa: {  	[smem:$0x3FAF] =	sst s2  }
0xb: {  	[smem:$0x3FB0] =	sst s3  }
0xc: {  	[smem:$0x3FB1] =	sst s4  }
0xd: {  	[smem:$0x3FB2] =	sst s5  }
0xe: {  	[smem:$0x3FB3] =	sst s6  }
0xf: {  	[smem:$0x3FB4] =	sst s7  }
0x10: {  	[smem:$0x3FB5] =	sst s8  }
0x11: {  	[smem:$0x3FB6] =	sst s9;
	s0 =	simm.s32 @!p0 $0x0  }
0x12: {  	s1 =	sld [smem:$0x3F9C];
	s0 =	simm.s32 @p0 $0x1  }
0x13: {  	[smem:$0x3FB7] =	sst s0;
	s0 =	simm.s32 @!p1 $0x0  }
0x14: {  	s2 =	sld [smem:$0x3F9B];
	s0 =	simm.s32 @p1 $0x1  }
0x15: {  	[smem:$0x3FB8] =	sst s0;
	s0 =	simm.s32 @!p2 $0x0  }
0x16: {  	s3 =	sld [smem:$0x3FDB];
	s0 =	simm.s32 @p2 $0x1  }
0x17: {  	s4 =	simm.s32 $0x1BF5;
	[smem:$0x3FBA] =	sst s0  }
0x18: {  	s0 =	sld [smem:$0x3F9D];
	_ =	swait.ge [sflag:s4], $0x0  }
0x19: {  	s7 =	sld [smem:$0x3F9E]  }
0x1a: {  	s8 =	sadd.s32 $0xFFFFE003, lr  }
0x1b: {  	s9 =	sadd.s32 $0xFFFFFEF7, lr;
	s5 =	simm.s32 $0xFFFFFFFF;
	p2 =	slt.u32 s8, $0xFFFFF086  }
0x1c: {  	p1 =	slt.u32 s9, $0xF7A;
	s5 =	simm.s32 @!p2 $0x0  }
0x1d: {  	s5 =	simm.s32 @p1 $0x1;
	p0 =	seq.s32 s7, s2  }
0x1e: {  	s7 =	smul.u32 @!p0 $0xF7A, s2;
	p2 =	seq.s32 @!p0 s5, $0x0  }
0x1f: {  	s9 =	smul.u32 $0xF7A, s1;
	s8 =	simm.s32 @!p0 $0x1BF5;
	p2 =	por !p2, p0  }
0x20: {  	[sflag:s8] =	ssyncset.s32 @!p0 $0xFFFFF086;
	s6 =	sadd.s32 @!p0 s3, s7;
	s7 =	simm.s32 @!p0 $0x108  }
0x21: {  	s3 =	sadd.s32 s3, s9;
	s6 =	sadd.s32 @!p0 $0x88, s6;
	s7 =	simm.s32 @p2 $0x1082  }
0x22: {  	[simem:s7], [sflag:s8] =	dma.local @!p0 [hbm:s6], $0xF7A  }
0x23: {  	s9 =	sor.u32 $0xD0000000, s2;
	s6 =	simm.s32 $0x108;
	_ =	swait.ge @!p0 [sflag:s8], $0x0  }
0x24: {  	s3 =	sadd.s32 $0x88, s3;
	s6 =	simm.s32 @!p1 $0x1082;
	[sflag:s4] =	ssyncset.s32 $0xFFFFF086  }
0x25: {  	[simem:s6], [sflag:s4] =	dma.local [hbm:s3], $0xF7A  }
0x26: {  	[smem:$0x3F9E] =	sst s1;
	(tag) =	ssettag s2;
	_ =	strace s9  }
0x27: {  	s1 =	sld [smem:$0x3FAE]  }
0x28: {  	s2 =	sld [smem:$0x3FAF]  }
0x29: {  	s4 =	sld [smem:$0x3FB1]  }
0x2a: {  	p0 =	seq.s32 s5, $0x0;
	s5 =	sld [smem:$0x3FB2]  }
0x2b: {  	s6 =	sld [smem:$0x3FB3]  }
0x2c: {  	s7 =	sld [smem:$0x3FB4]  }
0x2d: {  	s3 =	simm.s32 $0x108;
	s8 =	sld [smem:$0x3FB5]  }
0x2e: {  	s3 =	simm.s32 @!p0 $0x1082;
	s9 =	sld [smem:$0x3FB6]  }
0x2f: {  	lr =	sadd.s32 s0, s3;
	s0 =	sld [smem:$0x3FAD]  }
0x30: {  	s3 =	sld [smem:$0x3FB0]  }
0x31: {  	[smem:$0x3FB9] =	sst s10  }
0x32: {  	s10 =	sld [smem:$0x3FB7];
	_ =	sdelay $0x3  }
0x33: {  	p0 =	seq.s32 s10, $0x1;
	s10 =	sld [smem:$0x3FB9];
	_ =	sdelay $0x3  }
0x34: {  	[smem:$0x3FB9] =	sst s10  }
0x35: {  	s10 =	sld [smem:$0x3FB8];
	_ =	sdelay $0x3  }
0x36: {  	p1 =	seq.s32 s10, $0x1;
	s10 =	sld [smem:$0x3FB9];
	_ =	sdelay $0x3  }
0x37: {  	[smem:$0x3FB9] =	sst s10  }
0x38: {  	s10 =	sld [smem:$0x3FBA]  }
0x39: {  	_ = 	snop;
	(pc) =	sbr.ind lr, $3  }
0x3a: {  	_ = 	snop  }
0x3b: {  	_ = 	snop  }
0x3c: {  	p2 =	seq.s32 s10, $0x1;
	s10 =	sld [smem:$0x3FB9]  }
0x3d: {  	_ =	shalt  }
0x3e: {  	_ =	shalt  }
0x3f: {  	_ =	shalt  }
0x40: {  	_ =	shalt  }
0x41: {  	_ =	shalt  }
0x42: {  	_ =	shalt  }
0x43: {  	_ =	shalt  }
0x44: {  	_ =	shalt  }
0x45: {  	_ =	shalt  }
0x46: {  	_ =	shalt  }
0x47: {  	_ =	shalt  }
0x48: {  	_ =	shalt  }
0x49: {  	_ =	shalt  }
0x4a: {  	_ =	shalt  }
0x4b: {  	_ =	shalt  }
0x4c: {  	_ =	shalt  }
0x4d: {  	_ =	shalt  }
0x4e: {  	_ =	shalt  }
0x4f: {  	_ =	shalt  }
0x50: {  	_ =	shalt  }
0x51: {  	_ =	shalt  }
0x52: {  	_ =	shalt  }
0x53: {  	_ =	shalt  }
0x54: {  	_ =	shalt  }
0x55: {  	_ =	shalt  }
0x56: {  	_ =	shalt  }
0x57: {  	_ =	shalt  }
0x58: {  	_ =	shalt  }
0x59: {  	_ =	shalt  }
0x5a: {  	_ =	shalt  }
0x5b: {  	_ =	shalt  }
0x5c: {  	_ =	shalt  }
0x5d: {  	_ =	shalt  }
0x5e: {  	_ =	shalt  }
0x5f: {  	_ =	shalt  }
0x60: {  	_ =	shalt  }
0x61: {  	_ =	shalt  }
0x62: {  	_ =	shalt  }
0x63: {  	_ =	shalt  }
0x64: {  	_ =	shalt  }
0x65: {  	_ =	shalt  }
0x66: {  	_ =	shalt  }
0x67: {  	_ =	shalt  }
0x68: {  	_ =	shalt  }
0x69: {  	_ =	shalt  }
0x6a: {  	_ =	shalt  }
0x6b: {  	_ =	shalt  }
0x6c: {  	_ =	shalt  }
0x6d: {  	_ =	shalt  }
0x6e: {  	_ =	shalt  }
0x6f: {  	_ =	shalt  }
0x70: {  	_ =	shalt  }
0x71: {  	_ =	shalt  }
0x72: {  	_ =	shalt  }
0x73: {  	_ =	shalt  }
0x74: {  	_ =	shalt  }
0x75: {  	_ =	shalt  }
0x76: {  	_ =	shalt  }
0x77: {  	_ =	shalt  }
0x78: {  	_ =	shalt  }
0x79: {  	_ =	shalt  }
0x7a: {  	_ =	shalt  }
0x7b: {  	_ =	shalt  }
0x7c: {  	_ =	shalt  }
0x7d: {  	_ =	shalt  }
0x7e: {  	_ =	shalt  }
0x7f: {  	_ =	shalt  }
0x80: {  	_ =	shalt  }
0x81: {  	_ =	shalt  }
0x82: {  	_ =	shalt  }
0x83: {  	_ =	shalt  }
0x84: {  	_ =	shalt  }
0x85: {  	_ =	shalt  }
0x86: {  	_ =	shalt  }
0x87: {  	_ =	shalt  }
.Lfunc_end0:
.L_simem_size_0:
called_computation_lowered:
.L_overlay_start_0:
0x88: {  	s2 =	sld [smem:$0x3FD9]  }
0x89: {  	s3 =	sld [smem:$0x3FFE];
	_ =	sdelay $0x1  }
0x8a: {  	s1 =	srdreg.scid  }
0x8b: {  	s0 =	sand.u32 $0x1, s1  }
0x8c: {  	s17 =	sshll.u32 s0, $0xA;
	s2 =	sadd.s32 s3, s2  }
0x8d: {  	s2 =	sadd.s32 s2, s17  }
0x8e: {  	[smem:$0x3FC5] =	sst s2  }
0x8f: {  	_ = 	snop  }
0x90: {  	s2 =	sld [smem:$0x3FC9]  }
0x91: {  	s18 =	sld [smem:$0x3FC8]  }
0x92: {  	s4 =	sld [smem:$0x3FC7];
	(tm) =	ssettm $0x1  }
0x93: {  	s5 =	sld [smem:$0x3FFB];
	_ =	sdelay $0x3  }
0x94: {  	_ =	strace s5  }
0x95: {  	s5 =	sld [smem:$0x3FFC];
	_ =	sdelay $0x3  }
0x96: {  	_ =	strace s5  }
0x97: {  	s5 =	sld [smem:$0x3FFD];
	_ =	sdelay $0x3  }
0x98: {  	_ =	strace s5  }
0x99: {  	_ =	strace $0x8FFFFFFF  }
0x9a: {  	s19 =	sld [smem:$0x3FDB];
	_ =	sdelay $0x1  }
0x9b: {  	s6 =	simm.s32 $_scs_section_size  }
0x9c: {  	s7 =	simm.s32 $_size__tile_overlayer_lowered;
	s8 =	simm.s32 $_tile_overlayer_lowered  }
0x9d: {  	s22 =	simm.s32 $0x1BFF;
	s21 =	sshll.u32 s8, $0x1;
	s5 =	sadd.s32 s6, s19  }
0x9e: {  	s9 =	simm.s32 $0x0;
	s20 =	sshll.u32 s7, $0x1;
	s7 =	sadd.s32 s21, s5  }
0x9f: {  	[timem:s9], [sflag:s22] =	dma.local [hbm:s7], s20  }
0xa0: {  	_ =	swait.ge [sflag:s22], s20  }
0xa1: {  	s6 =	ssub.s32 $0x0, s20;
	[sflag:s22] =	ssyncset.done $0x0  }
0xa2: {  	[sflag:s22] =	ssyncadd.s32 s6;
	_ =	sdelay $0x1  }
0xa3: {  	s23 =	simm.s32 $0x1B8B  }
0xa4: {  	_ =	swait.ge [sflag:s23], $0x1  }
0xa5: {  	[sflag:s23] =	ssyncset.done $0x0  }
0xa6: {  	s25 =	simm.s32 $0x1B8E;
	s24 =	sld [smem:$0x3FFE];
	[sflag:s23] =	ssyncadd.s32 $0xFFFFFFFF  }
0xa7: {  	s26 =	simm.s32 $execute0_lowered;
	[smem:$0x3FD2] =	sst s25  }
0xa8: {  	s7 =	sshll.u32 s26, $0x1;
	_ =	strace $0x80000046;
	[dreg:$0x1] =	wrdreg $0xFFFFFFFF  }
0xa9: {  	s28 =	simm.s32 $_size_execute0_lowered;
	s5 =	sadd.s32 s5, s7;
	[dreg:$0x0] =	wrdreg $0x0  }
0xaa: {  	s7 =	sshll.u32 s28, $0x1;
	[dreg:$0x2] =	wrdreg s5  }
0xab: {  	[dreg:$0x3] =	wrdreg s7  }
0xac: {  	[dreg:$0x4] =	wrdreg $0xC0  }
0xad: {  	_ =	task [dreg:s9], $0x5FFFF  }
0xae: {  	[dreg:$0x1] =	wrdreg $0xFFFFFFFF  }
0xaf: {  	[dreg:$0x0] =	wrdreg $0x60  }
0xb0: {  	[dreg:$0x2] =	wrdreg s2  }
0xb1: {  	[dreg:$0x3] =	wrdreg s18  }
0xb2: {  	[dreg:$0x4] =	wrdreg s4  }
0xb3: {  	[dreg:$0x5] =	wrdreg s24  }
0xb4: {  	[dreg:$0x6] =	wrdreg $0x9  }
0xb5: {  	_ =	task.clear_ibuf [dreg:s9], $0x7FFFF;
	_ =	strace $0x90000046  }
0xb6: {  	s29 =	simm.s32 $0x9;
	_ =	strace $0x80000048  }
0xb7: {  	_ =	swait.ge [sflag:s29], $0x1  }
0xb8: {  	[sflag:s29] =	ssyncadd.s32 $0xFFFFFFFF  }
0xb9: {  	_ =	strace $0x90000048  }
0xba: {  	_ =	sfence  }
0xbb: {  	s30 =	sld [smem:$0x0];
	_ =	sdelay $0x2  }
0xbc: {  	s31 =	sshll.u32 s1, $0xD;
	s1 =	sshrl.u32 s1, $0x2  }
0xbd: {  	s3 =	sand.u32 $0x4000, s31;
	s1 =	sadd.s32 s1, s30  }
0xbe: {  	s0 =	sor.u32 s3, s0;
	s1 =	sshll.u32 s1, $0x11  }
0xbf: {  	s0 =	sor.u32 s1, s0  }
0xc0: {  	s0 =	sadd.s32 $0x8F2B, s0  }
0xc1: {  	[sflag:s0] =	ssyncadd.remote.s32 $0x1  }
0xc2: {  	_ =	sfence.sel $0xFFFF  }
0xc3: {  	[dreg:$0x0] =	wrdreg $0xFFFFFFFF;
	(pc) =	sbr.abs _section_cstart, $3  }
0xc4: {  	[dreg:$0x1] =	wrdreg $0xFFFFFFFF  }
0xc5: {  	_ =	task.clear_ibuf [dreg:s9], $0x2FFFF;
	_ =	strace $0x9FFFFFFF  }
0xc6: {  	(tm) =	ssettm $0x7FFFFFFF  }
0xc7: {  	_ =	shalt  }
tec
execute0_lowered:
.L_overlay_start_1:
0x0: {  	(tag) =	ssettag $0x1  }
0x1: {  	s1 =	rddreg [dreg:$0x0]  }
0x2: {  	s0 =	rddreg [dreg:$0x1]  }
0x3: {  	s2 =	rddreg [dreg:$0x2]  }
0x4: {  	s4 =	rddreg [dreg:$0x3]  }
0x5: {  	s3 =	simm.s32 $0x0;
	s7 =	stileid.u32;
	s5 =	srdreg.scid  }
0x6: {  	s12 =	simm.s32 $0x200;
	s11 =	simm.s32 $0x7800;
	s13 =	simm.s32 $0x9800  }
0x7: {  	s14 =	simm.s32 $0x7A00;
	s15 =	simm.s32 $0x9A00;
	s16 =	simm.s32 $0x7C00  }
0x8: {  	s17 =	simm.s32 $0x9C00;
	s18 =	simm.s32 $0x7E00;
	s19 =	simm.s32 $0x9E00  }
0x9: {  	s20 =	simm.s32 $0x2;
	s21 =	simm.s32 $0xA000;
	s22 =	simm.s32 $0x3  }
0xa: {  	s23 =	simm.s32 $0x4;
	s24 =	simm.s32 $0x5;
	s28 =	simm.s32 $0x6  }
0xb: {  	s29 =	simm.s32 $0x0;
	[smem:$0x7FF] =	sst s3;
	s5 =	sand.u32 $0x1, s5  }
0xc: {  	s6 =	sshll.u32 s7, $0x1;
	s7 =	sshll.u32 s7, $0xA;
	_ =	strace $0x80000047  }
0xd: {  	s8 =	ssub.s32 $0x2, s5;
	s5 =	sor.u32 s5, s6;
	s25 =	sand.u32 $0x3000, s7  }
0xe: {  	s26 =	sshrl.u32 s8, $0x1;
	s9 =	sshll.u32 s5, $0x4;
	s4 =	sadd.s32 s25, s4  }
0xf: {  	s31 =	sshll.u32 s5, $0xB;
	s5 =	sshll.u32 s5, $0xA;
	s25 =	simm.s32 $0x80  }
0x10: {  	s7 =	ssub.s32 s8, s26;
	s30 =	sand.u32 $0x70, s9;
	s5 =	sadd.s32 s0, s5  }
0x11: {  	s9 =	simm.s32 $0x1;
	s26 =	simm.s32 $0x400;
	s6 =	sadd.s32 s30, s4  }
0x12: {  	v0 =	vimm.f32 $0.0e+00;
	s4 =	sadd.s32 s2, s31;
	s7 =	smax.u32 s7, $0x1;
	s6 =	sadd.s32 $0x800, s6  }
.LBB2_1:
0x13: {  	[tilespmem:s3], [sflag:$0x1] =	stream.linear.gather [hbm4b:s4+s3], $0x4000, $0x38;
	[tilespmem:$0xB000] =	vst v63  }
0x14: {  	s0 =	simm.s32 $0x4000  }
0x15: {  	[tilespmem:s0], [sflag:$0x1] =	stream.linear.gather [hbm4b:s5+s3], $0x2000, $0x38;
	[tilespmem:$0xB000] =	vst v63  }
0x16: {  	s2 =	simm.s32 $0x100;
	s0 =	simm.s32 $0x0  }
.LBB2_2:
0x17: {  	p0 =	sne.s32 s2, $0x3F00;
	[tilespmem:s0+$0xA030] =	vst v0;
	s8 =	smov.u32 s2;
	s2 =	sadd.s32 $0x100, s2  }
.Ltmp0:
0x18: {  	[tilespmem:s0+$0xA020] =	vst v0;
	(pc) =	sbr.rel @p0 .LBB2_2-.Ltmp0, $3  }
0x19: {  	[tilespmem:s0+$0xA000] =	vst v0  }
0x1a: {  	[tilespmem:s0+$0xA010] =	vst v0;
	_ =	sdelay $0x1  }
0x1b: {  	s0 =	sshra.s32 s8, $0x2  }
0x1c: {  	[tilespmem:s0+$0xA030] =	vst v0  }
0x1d: {  	[tilespmem:s0+$0xA020] =	vst v0  }
0x1e: {  	[tilespmem:s0+$0xA000] =	vst v0  }
0x1f: {  	[tilespmem:s0+$0xA010] =	vst v0  }
0x20: {  	_ =	swait.ge [sflag:s9], $0x4000  }
0x21: {  	[sflag:s9] =	ssyncset.done $0x0  }
0x22: {  	[sflag:s9] =	ssyncadd.s32 $0xFFFFC000  }
0x23: {  	s8 =	simm.s32 $0x0;
	_ =	swait.ge [sflag:s9], $0x2000  }
0x24: {  	s2 =	sand.u32 $0x70, s8;
	s0 =	sand.u32 $0x300, s8;
	[sflag:s9] =	ssyncset.done $0x0  }
0x25: {  	s0 =	sor.u32 s2, s0;
	[sflag:s9] =	ssyncadd.s32 $0xFFFFE000  }
0x26: {  	v1 =	vld [tilespmem:s0+$0x0]  }
0x27: {  	v2 =	vld [tilespmem:s0+$0x80];
	_ =	sdelay $0x3  }
0x28: {  	v3 =	vshrl.u32 v1, $0x3  }
0x29: {  	v4 =	vshrl.u32 v2, $0x7;
	v3 =	vmul.u32 $0xF8, v3  }
0x2a: {  	v4 =	vmul.u32 $0x380, v4  }
0x2b: {  	v1 =	vadd.s32 v1, v3  }
0x2c: {  	s30 =	simm.s32 $0x6000;
	s10 =	simm.s32 $0x10;
	s31 =	simm.s32 $0x20;
	v2 =	vadd.s32 v2, v4;
	v1 =	vshll.u32 v1, $0x7  }
0x2d: {  	s8 =	sand.u32 $0x300, s31;
	s2 =	sand.u32 $0x70, s10;
	s0 =	simm.s32 $0x20;
	v1 =	vadd.s32 v1, v2  }
.LBB2_4:
0x2e: {  	p0 =	sne.s32 s0, $0x1F0;
	s2 =	sor.u32 s2, s8;
	[tilespmem:s30+$0x0] =	vst v1  }
0x2f: {  	v1 =	vld [tilespmem:s2+$0x0]  }
0x30: {  	v2 =	vld [tilespmem:s2+$0x80];
	_ =	sdelay $0x3  }
0x31: {  	v3 =	vshrl.u32 v1, $0x3  }
.Ltmp1:
0x32: {  	v3 =	vmul.u32 $0xF8, v3;
	v4 =	vshrl.u32 v2, $0x7;
	(pc) =	sbr.rel @p0 .LBB2_4-.Ltmp1, $4  }
0x33: {  	v4 =	vmul.u32 $0x380, v4  }
0x34: {  	v1 =	vadd.s32 v1, v3  }
0x35: {  	s31 =	sadd.s32 $0x20, s31;
	s30 =	sadd.s32 $0x10, s30;
	v1 =	vshll.u32 v1, $0x7;
	v2 =	vadd.s32 v2, v4  }
0x36: {  	s8 =	sand.u32 $0x300, s31;
	s2 =	sand.u32 $0x70, s0;
	s0 =	sadd.s32 $0x10, s0;
	v1 =	vadd.s32 v1, v2  }
0x37: {  	s0 =	sor.u32 s2, s8;
	[tilespmem:s30+$0x0] =	vst v1  }
0x38: {  	v1 =	vld [tilespmem:s0+$0x0]  }
0x39: {  	v2 =	vld [tilespmem:s0+$0x80];
	_ =	sdelay $0x3  }
0x3a: {  	v3 =	vshrl.u32 v1, $0x3  }
0x3b: {  	v4 =	vshrl.u32 v2, $0x7;
	v3 =	vmul.u32 $0xF8, v3  }
0x3c: {  	v4 =	vmul.u32 $0x380, v4  }
0x3d: {  	v1 =	vadd.s32 v1, v3  }
0x3e: {  	v2 =	vadd.s32 v2, v4;
	v1 =	vshll.u32 v1, $0x7  }
0x3f: {  	s2 =	sadd.s32 $0x10, s30;
	v1 =	vadd.s32 v1, v2  }
0x40: {  	s8 =	simm.s32 $0x6000;
	s10 =	simm.s32 $0x8000;
	s0 =	simm.s32 $0x200;
	[tilespmem:s2+$0x0] =	vst v1  }
0x41: {  	[tilespmem:s10], [sflag:$0x2] =	stream.indirect.gather [hbm4b:s1+s0], $0x1, s8, s0, $0xb8;
	[tilespmem:$0xB000] =	vst v63  }
0x42: {  	s8 =	simm.s32 $0x400  }
0x43: {  	s0 =	sand.u32 $0x70, s0;
	s2 =	sand.u32 $0x700, s8  }
0x44: {  	s0 =	sor.u32 s0, s2  }
0x45: {  	v1 =	vld [tilespmem:s0+$0x0]  }
0x46: {  	v2 =	vld [tilespmem:s0+$0x80];
	_ =	sdelay $0x3  }
0x47: {  	v3 =	vshrl.u32 v1, $0x3  }
0x48: {  	v63 =	vshrl.u32 v2, $0x7;
	v3 =	vmul.u32 $0xF8, v3  }
0x49: {  	v4 =	vmul.u32 $0x380, v63  }
0x4a: {  	v1 =	vadd.s32 v1, v3  }
0x4b: {  	s30 =	simm.s32 $0x6200;
	s31 =	simm.s32 $0x210;
	s10 =	simm.s32 $0x420;
	v2 =	vadd.s32 v2, v4;
	v1 =	vshll.u32 v1, $0x7  }
0x4c: {  	s8 =	sand.u32 $0x700, s10;
	s2 =	sand.u32 $0x70, s31;
	s0 =	simm.s32 $0x440;
	v1 =	vadd.s32 v1, v2  }
.LBB2_6:
0x4d: {  	p0 =	sne.s32 s0, $0x7E0;
	s2 =	sor.u32 s2, s8;
	[tilespmem:s30+$0x0] =	vst v1  }
0x4e: {  	v1 =	vld [tilespmem:s2+$0x0]  }
0x4f: {  	v2 =	vld [tilespmem:s2+$0x80];
	_ =	sdelay $0x3  }
0x50: {  	v3 =	vshrl.u32 v1, $0x3  }
.Ltmp2:
0x51: {  	v3 =	vmul.u32 $0xF8, v3;
	v4 =	vshrl.u32 v2, $0x7;
	(pc) =	sbr.rel @p0 .LBB2_6-.Ltmp2, $4  }
0x52: {  	v4 =	vmul.u32 $0x380, v4  }
0x53: {  	v1 =	vadd.s32 v1, v3  }
0x54: {  	s31 =	sadd.s32 $0x10, s31;
	s30 =	sadd.s32 $0x10, s30;
	v1 =	vshll.u32 v1, $0x7;
	v2 =	vadd.s32 v2, v4  }
0x55: {  	s8 =	sand.u32 $0x700, s0;
	s0 =	sadd.s32 $0x20, s0;
	s2 =	sand.u32 $0x70, s31;
	v1 =	vadd.s32 v1, v2  }
0x56: {  	s0 =	sor.u32 s2, s8;
	[tilespmem:s30+$0x0] =	vst v1  }
0x57: {  	v1 =	vld [tilespmem:s0+$0x0]  }
0x58: {  	v2 =	vld [tilespmem:s0+$0x80];
	_ =	sdelay $0x3  }
0x59: {  	v3 =	vshrl.u32 v1, $0x3  }
0x5a: {  	v4 =	vshrl.u32 v2, $0x7;
	v3 =	vmul.u32 $0xF8, v3  }
0x5b: {  	v4 =	vmul.u32 $0x380, v4  }
0x5c: {  	v1 =	vadd.s32 v1, v3  }
0x5d: {  	v2 =	vadd.s32 v2, v4;
	v1 =	vshll.u32 v1, $0x7  }
0x5e: {  	s2 =	sadd.s32 $0x10, s30;
	v1 =	vadd.s32 v1, v2  }
0x5f: {  	s8 =	simm.s32 $0x6200;
	s10 =	simm.s32 $0x8200;
	[tilespmem:s2+$0x0] =	vst v1  }
0x60: {  	[tilespmem:s10], [sflag:$0x2] =	stream.indirect.gather [hbm4b:s1+s12], $0x1, s8, s12, $0xb8;
	[tilespmem:$0xB000] =	vst v63  }
0x61: {  	s2 =	simm.s32 $0x400;
	s8 =	simm.s32 $0x800  }
0x62: {  	s0 =	sand.u32 $0x70, s2;
	s2 =	sand.u32 $0xF00, s8  }
0x63: {  	s0 =	sor.u32 s0, s2  }
0x64: {  	v1 =	vld [tilespmem:s0+$0x0]  }
0x65: {  	v2 =	vld [tilespmem:s0+$0x80];
	_ =	sdelay $0x3  }
0x66: {  	v3 =	vshrl.u32 v1, $0x3  }
0x67: {  	v63 =	vshrl.u32 v2, $0x7;
	v3 =	vmul.u32 $0xF8, v3  }
0x68: {  	v4 =	vmul.u32 $0x380, v63  }
0x69: {  	v1 =	vadd.s32 v1, v3  }
0x6a: {  	s30 =	simm.s32 $0x6400;
	s31 =	simm.s32 $0x820;
	s10 =	simm.s32 $0x410;
	v2 =	vadd.s32 v2, v4;
	v1 =	vshll.u32 v1, $0x7  }
0x6b: {  	s8 =	sand.u32 $0xF00, s31;
	s2 =	sand.u32 $0x70, s10;
	s0 =	simm.s32 $0x420;
	v1 =	vadd.s32 v1, v2  }
.LBB2_8:
0x6c: {  	p0 =	sne.s32 s0, $0x5F0;
	s2 =	sor.u32 s2, s8;
	[tilespmem:s30+$0x0] =	vst v1  }
0x6d: {  	v1 =	vld [tilespmem:s2+$0x0]  }
0x6e: {  	v2 =	vld [tilespmem:s2+$0x80];
	_ =	sdelay $0x3  }
0x6f: {  	v3 =	vshrl.u32 v1, $0x3  }
.Ltmp3:
0x70: {  	v3 =	vmul.u32 $0xF8, v3;
	v4 =	vshrl.u32 v2, $0x7;
	(pc) =	sbr.rel @p0 .LBB2_8-.Ltmp3, $4  }
0x71: {  	v4 =	vmul.u32 $0x380, v4  }
0x72: {  	v1 =	vadd.s32 v1, v3  }
0x73: {  	s31 =	sadd.s32 $0x20, s31;
	s30 =	sadd.s32 $0x10, s30;
	v1 =	vshll.u32 v1, $0x7;
	v2 =	vadd.s32 v2, v4  }
0x74: {  	s8 =	sand.u32 $0xF00, s31;
	s2 =	sand.u32 $0x70, s0;
	s0 =	sadd.s32 $0x10, s0;
	v1 =	vadd.s32 v1, v2  }
0x75: {  	s0 =	sor.u32 s2, s8;
	[tilespmem:s30+$0x0] =	vst v1  }
0x76: {  	v1 =	vld [tilespmem:s0+$0x0]  }
0x77: {  	v2 =	vld [tilespmem:s0+$0x80];
	_ =	sdelay $0x3  }
0x78: {  	v3 =	vshrl.u32 v1, $0x3  }
0x79: {  	v4 =	vshrl.u32 v2, $0x7;
	v3 =	vmul.u32 $0xF8, v3  }
0x7a: {  	v4 =	vmul.u32 $0x380, v4  }
0x7b: {  	v1 =	vadd.s32 v1, v3  }
0x7c: {  	v2 =	vadd.s32 v2, v4;
	v1 =	vshll.u32 v1, $0x7  }
0x7d: {  	s2 =	sadd.s32 $0x10, s30;
	v1 =	vadd.s32 v1, v2  }
0x7e: {  	s8 =	simm.s32 $0x6400;
	s10 =	simm.s32 $0x8400;
	[tilespmem:s2+$0x0] =	vst v1  }
0x7f: {  	[tilespmem:s10], [sflag:$0x2] =	stream.indirect.gather [hbm4b:s1+s12], $0x1, s8, s12, $0xb8;
	[tilespmem:$0xB000] =	vst v63  }
0x80: {  	s2 =	simm.s32 $0x600;
	s8 =	simm.s32 $0xC00  }
0x81: {  	s0 =	sand.u32 $0x70, s2;
	s2 =	sand.u32 $0xF00, s8  }
0x82: {  	s0 =	sor.u32 s0, s2  }
0x83: {  	v1 =	vld [tilespmem:s0+$0x0]  }
0x84: {  	v2 =	vld [tilespmem:s0+$0x80];
	_ =	sdelay $0x3  }
0x85: {  	v3 =	vshrl.u32 v1, $0x3  }
0x86: {  	v63 =	vshrl.u32 v2, $0x7;
	v3 =	vmul.u32 $0xF8, v3  }
0x87: {  	v4 =	vmul.u32 $0x380, v63  }
0x88: {  	v1 =	vadd.s32 v1, v3  }
0x89: {  	s30 =	simm.s32 $0x6600;
	s31 =	simm.s32 $0xC20;
	s10 =	simm.s32 $0x610;
	v2 =	vadd.s32 v2, v4;
	v1 =	vshll.u32 v1, $0x7  }
0x8a: {  	s8 =	sand.u32 $0xF00, s31;
	s2 =	sand.u32 $0x70, s10;
	s0 =	simm.s32 $0x620;
	v1 =	vadd.s32 v1, v2  }
.LBB2_10:
0x8b: {  	p0 =	sne.s32 s0, $0x7F0;
	s2 =	sor.u32 s2, s8;
	[tilespmem:s30+$0x0] =	vst v1  }
0x8c: {  	v1 =	vld [tilespmem:s2+$0x0]  }
0x8d: {  	v2 =	vld [tilespmem:s2+$0x80];
	_ =	sdelay $0x3  }
0x8e: {  	v3 =	vshrl.u32 v1, $0x3  }
.Ltmp4:
0x8f: {  	v3 =	vmul.u32 $0xF8, v3;
	v4 =	vshrl.u32 v2, $0x7;
	(pc) =	sbr.rel @p0 .LBB2_10-.Ltmp4, $4  }
0x90: {  	v4 =	vmul.u32 $0x380, v4  }
0x91: {  	v1 =	vadd.s32 v1, v3  }
0x92: {  	s31 =	sadd.s32 $0x20, s31;
	s30 =	sadd.s32 $0x10, s30;
	v1 =	vshll.u32 v1, $0x7;
	v2 =	vadd.s32 v2, v4  }
0x93: {  	s8 =	sand.u32 $0xF00, s31;
	s2 =	sand.u32 $0x70, s0;
	s0 =	sadd.s32 $0x10, s0;
	v1 =	vadd.s32 v1, v2  }
0x94: {  	s0 =	sor.u32 s2, s8;
	[tilespmem:s30+$0x0] =	vst v1  }
0x95: {  	v1 =	vld [tilespmem:s0+$0x0]  }
0x96: {  	v2 =	vld [tilespmem:s0+$0x80];
	_ =	sdelay $0x3  }
0x97: {  	v3 =	vshrl.u32 v1, $0x3  }
0x98: {  	v4 =	vshrl.u32 v2, $0x7;
	v3 =	vmul.u32 $0xF8, v3  }
0x99: {  	v4 =	vmul.u32 $0x380, v4  }
0x9a: {  	v1 =	vadd.s32 v1, v3  }
0x9b: {  	v2 =	vadd.s32 v2, v4;
	v1 =	vshll.u32 v1, $0x7  }
0x9c: {  	s2 =	sadd.s32 $0x10, s30;
	v1 =	vadd.s32 v1, v2  }
0x9d: {  	s8 =	simm.s32 $0x6600;
	s10 =	simm.s32 $0x8600;
	[tilespmem:s2+$0x0] =	vst v1  }
0x9e: {  	[tilespmem:s10], [sflag:$0x2] =	stream.indirect.gather [hbm4b:s1+s12], $0x1, s8, s12, $0xb8;
	[tilespmem:$0xB000] =	vst v63  }
0x9f: {  	s2 =	simm.s32 $0x800;
	s8 =	simm.s32 $0x1000  }
0xa0: {  	s0 =	sand.u32 $0x70, s2;
	s2 =	sand.u32 $0x1F00, s8  }
0xa1: {  	s0 =	sor.u32 s0, s2  }
0xa2: {  	v1 =	vld [tilespmem:s0+$0x0]  }
0xa3: {  	v2 =	vld [tilespmem:s0+$0x80];
	_ =	sdelay $0x3  }
0xa4: {  	v3 =	vshrl.u32 v1, $0x3  }
0xa5: {  	v63 =	vshrl.u32 v2, $0x7;
	v3 =	vmul.u32 $0xF8, v3  }
0xa6: {  	v4 =	vmul.u32 $0x380, v63  }
0xa7: {  	v1 =	vadd.s32 v1, v3  }
0xa8: {  	s30 =	simm.s32 $0x6800;
	s31 =	simm.s32 $0x1020;
	s10 =	simm.s32 $0x810;
	v2 =	vadd.s32 v2, v4;
	v1 =	vshll.u32 v1, $0x7  }
0xa9: {  	s8 =	sand.u32 $0x1F00, s31;
	s2 =	sand.u32 $0x70, s10;
	s0 =	simm.s32 $0x820;
	v1 =	vadd.s32 v1, v2  }
.LBB2_12:
0xaa: {  	p0 =	sne.s32 s0, $0x9F0;
	s2 =	sor.u32 s2, s8;
	[tilespmem:s30+$0x0] =	vst v1  }
0xab: {  	v1 =	vld [tilespmem:s2+$0x0]  }
0xac: {  	v2 =	vld [tilespmem:s2+$0x80];
	_ =	sdelay $0x3  }
0xad: {  	v3 =	vshrl.u32 v1, $0x3  }
.Ltmp5:
0xae: {  	v3 =	vmul.u32 $0xF8, v3;
	v4 =	vshrl.u32 v2, $0x7;
	(pc) =	sbr.rel @p0 .LBB2_12-.Ltmp5, $4  }
0xaf: {  	v4 =	vmul.u32 $0x380, v4  }
0xb0: {  	v1 =	vadd.s32 v1, v3  }
0xb1: {  	s31 =	sadd.s32 $0x20, s31;
	s30 =	sadd.s32 $0x10, s30;
	v1 =	vshll.u32 v1, $0x7;
	v2 =	vadd.s32 v2, v4  }
0xb2: {  	s8 =	sand.u32 $0x1F00, s31;
	s2 =	sand.u32 $0x70, s0;
	s0 =	sadd.s32 $0x10, s0;
	v1 =	vadd.s32 v1, v2  }
0xb3: {  	s0 =	sor.u32 s2, s8;
	[tilespmem:s30+$0x0] =	vst v1  }
0xb4: {  	v1 =	vld [tilespmem:s0+$0x0]  }
0xb5: {  	v2 =	vld [tilespmem:s0+$0x80];
	_ =	sdelay $0x3  }
0xb6: {  	v3 =	vshrl.u32 v1, $0x3  }
0xb7: {  	v4 =	vshrl.u32 v2, $0x7;
	v3 =	vmul.u32 $0xF8, v3  }
0xb8: {  	v4 =	vmul.u32 $0x380, v4  }
0xb9: {  	v1 =	vadd.s32 v1, v3  }
0xba: {  	v2 =	vadd.s32 v2, v4;
	v1 =	vshll.u32 v1, $0x7  }
0xbb: {  	s2 =	sadd.s32 $0x10, s30;
	v1 =	vadd.s32 v1, v2  }
0xbc: {  	s8 =	simm.s32 $0x6800;
	s10 =	simm.s32 $0x8800;
	[tilespmem:s2+$0x0] =	vst v1  }
0xbd: {  	[tilespmem:s10], [sflag:$0x3] =	stream.indirect.gather [hbm4b:s1+s12], $0x1, s8, s12, $0xb8;
	[tilespmem:$0xB000] =	vst v63  }
0xbe: {  	s2 =	simm.s32 $0xA00;
	s8 =	simm.s32 $0x1400  }
0xbf: {  	s0 =	sand.u32 $0x70, s2;
	s2 =	sand.u32 $0x1F00, s8  }
0xc0: {  	s0 =	sor.u32 s0, s2  }
0xc1: {  	v1 =	vld [tilespmem:s0+$0x0]  }
0xc2: {  	v2 =	vld [tilespmem:s0+$0x80];
	_ =	sdelay $0x3  }
0xc3: {  	v3 =	vshrl.u32 v1, $0x3  }
0xc4: {  	v63 =	vshrl.u32 v2, $0x7;
	v3 =	vmul.u32 $0xF8, v3  }
0xc5: {  	v4 =	vmul.u32 $0x380, v63  }
0xc6: {  	v1 =	vadd.s32 v1, v3  }
0xc7: {  	s30 =	simm.s32 $0x6A00;
	s31 =	simm.s32 $0x1420;
	s10 =	simm.s32 $0xA10;
	v2 =	vadd.s32 v2, v4;
	v1 =	vshll.u32 v1, $0x7  }
0xc8: {  	s8 =	sand.u32 $0x1F00, s31;
	s2 =	sand.u32 $0x70, s10;
	s0 =	simm.s32 $0xA20;
	v1 =	vadd.s32 v1, v2  }
.LBB2_14:
0xc9: {  	p0 =	sne.s32 s0, $0xBF0;
	s2 =	sor.u32 s2, s8;
	[tilespmem:s30+$0x0] =	vst v1  }
0xca: {  	v1 =	vld [tilespmem:s2+$0x0]  }
0xcb: {  	v2 =	vld [tilespmem:s2+$0x80];
	_ =	sdelay $0x3  }
0xcc: {  	v3 =	vshrl.u32 v1, $0x3  }
.Ltmp6:
0xcd: {  	v3 =	vmul.u32 $0xF8, v3;
	v4 =	vshrl.u32 v2, $0x7;
	(pc) =	sbr.rel @p0 .LBB2_14-.Ltmp6, $4  }
0xce: {  	v4 =	vmul.u32 $0x380, v4  }
0xcf: {  	v1 =	vadd.s32 v1, v3  }
0xd0: {  	s31 =	sadd.s32 $0x20, s31;
	s30 =	sadd.s32 $0x10, s30;
	v1 =	vshll.u32 v1, $0x7;
	v2 =	vadd.s32 v2, v4  }
0xd1: {  	s8 =	sand.u32 $0x1F00, s31;
	s2 =	sand.u32 $0x70, s0;
	s0 =	sadd.s32 $0x10, s0;
	v1 =	vadd.s32 v1, v2  }
0xd2: {  	s0 =	sor.u32 s2, s8;
	[tilespmem:s30+$0x0] =	vst v1  }
0xd3: {  	v1 =	vld [tilespmem:s0+$0x0]  }
0xd4: {  	v2 =	vld [tilespmem:s0+$0x80];
	_ =	sdelay $0x3  }
0xd5: {  	v3 =	vshrl.u32 v1, $0x3  }
0xd6: {  	v4 =	vshrl.u32 v2, $0x7;
	v3 =	vmul.u32 $0xF8, v3  }
0xd7: {  	v4 =	vmul.u32 $0x380, v4  }
0xd8: {  	v1 =	vadd.s32 v1, v3  }
0xd9: {  	v2 =	vadd.s32 v2, v4;
	v1 =	vshll.u32 v1, $0x7  }
0xda: {  	s2 =	sadd.s32 $0x10, s30;
	v1 =	vadd.s32 v1, v2  }
0xdb: {  	s8 =	simm.s32 $0x6A00;
	s10 =	simm.s32 $0x8A00;
	[tilespmem:s2+$0x0] =	vst v1  }
0xdc: {  	[tilespmem:s10], [sflag:$0x3] =	stream.indirect.gather [hbm4b:s1+s12], $0x1, s8, s12, $0xb8;
	[tilespmem:$0xB000] =	vst v63  }
0xdd: {  	s2 =	simm.s32 $0xC00;
	s8 =	simm.s32 $0x1800  }
0xde: {  	s0 =	sand.u32 $0x70, s2;
	s2 =	sand.u32 $0x1F00, s8  }
0xdf: {  	s0 =	sor.u32 s0, s2  }
0xe0: {  	v1 =	vld [tilespmem:s0+$0x0]  }
0xe1: {  	v2 =	vld [tilespmem:s0+$0x80];
	_ =	sdelay $0x3  }
0xe2: {  	v3 =	vshrl.u32 v1, $0x3  }
0xe3: {  	v63 =	vshrl.u32 v2, $0x7;
	v3 =	vmul.u32 $0xF8, v3  }
0xe4: {  	v4 =	vmul.u32 $0x380, v63  }
0xe5: {  	v1 =	vadd.s32 v1, v3  }
0xe6: {  	s30 =	simm.s32 $0x6C00;
	s31 =	simm.s32 $0x1820;
	s10 =	simm.s32 $0xC10;
	v2 =	vadd.s32 v2, v4;
	v1 =	vshll.u32 v1, $0x7  }
0xe7: {  	s8 =	sand.u32 $0x1F00, s31;
	s2 =	sand.u32 $0x70, s10;
	s0 =	simm.s32 $0xC20;
	v1 =	vadd.s32 v1, v2  }
.LBB2_16:
0xe8: {  	p0 =	sne.s32 s0, $0xDF0;
	s2 =	sor.u32 s2, s8;
	[tilespmem:s30+$0x0] =	vst v1  }
0xe9: {  	v1 =	vld [tilespmem:s2+$0x0]  }
0xea: {  	v2 =	vld [tilespmem:s2+$0x80];
	_ =	sdelay $0x3  }
0xeb: {  	v3 =	vshrl.u32 v1, $0x3  }
.Ltmp7:
0xec: {  	v3 =	vmul.u32 $0xF8, v3;
	v4 =	vshrl.u32 v2, $0x7;
	(pc) =	sbr.rel @p0 .LBB2_16-.Ltmp7, $4  }
0xed: {  	v4 =	vmul.u32 $0x380, v4  }
0xee: {  	v1 =	vadd.s32 v1, v3  }
0xef: {  	s31 =	sadd.s32 $0x20, s31;
	s30 =	sadd.s32 $0x10, s30;
	v1 =	vshll.u32 v1, $0x7;
	v2 =	vadd.s32 v2, v4  }
0xf0: {  	s8 =	sand.u32 $0x1F00, s31;
	s2 =	sand.u32 $0x70, s0;
	s0 =	sadd.s32 $0x10, s0;
	v1 =	vadd.s32 v1, v2  }
0xf1: {  	s0 =	sor.u32 s2, s8;
	[tilespmem:s30+$0x0] =	vst v1  }
0xf2: {  	v1 =	vld [tilespmem:s0+$0x0]  }
0xf3: {  	v2 =	vld [tilespmem:s0+$0x80];
	_ =	sdelay $0x3  }
0xf4: {  	v3 =	vshrl.u32 v1, $0x3  }
0xf5: {  	v4 =	vshrl.u32 v2, $0x7;
	v3 =	vmul.u32 $0xF8, v3  }
0xf6: {  	v4 =	vmul.u32 $0x380, v4  }
0xf7: {  	v1 =	vadd.s32 v1, v3  }
0xf8: {  	v2 =	vadd.s32 v2, v4;
	v1 =	vshll.u32 v1, $0x7  }
0xf9: {  	s2 =	sadd.s32 $0x10, s30;
	v1 =	vadd.s32 v1, v2  }
0xfa: {  	s8 =	simm.s32 $0x6C00;
	s10 =	simm.s32 $0x8C00;
	[tilespmem:s2+$0x0] =	vst v1  }
0xfb: {  	[tilespmem:s10], [sflag:$0x3] =	stream.indirect.gather [hbm4b:s1+s12], $0x1, s8, s12, $0xb8;
	[tilespmem:$0xB000] =	vst v63  }
0xfc: {  	s2 =	simm.s32 $0xE00;
	s8 =	simm.s32 $0x1C00  }
0xfd: {  	s0 =	sand.u32 $0x70, s2;
	s2 =	sand.u32 $0x1F00, s8  }
0xfe: {  	s0 =	sor.u32 s0, s2  }
0xff: {  	v1 =	vld [tilespmem:s0+$0x0]  }
0x100: {  	v2 =	vld [tilespmem:s0+$0x80];
	_ =	sdelay $0x3  }
0x101: {  	v3 =	vshrl.u32 v1, $0x3  }
0x102: {  	v63 =	vshrl.u32 v2, $0x7;
	v3 =	vmul.u32 $0xF8, v3  }
0x103: {  	v4 =	vmul.u32 $0x380, v63  }
0x104: {  	v1 =	vadd.s32 v1, v3  }
0x105: {  	s30 =	simm.s32 $0x6E00;
	s31 =	simm.s32 $0x1C20;
	s10 =	simm.s32 $0xE10;
	v2 =	vadd.s32 v2, v4;
	v1 =	vshll.u32 v1, $0x7  }
0x106: {  	s8 =	sand.u32 $0x1F00, s31;
	s2 =	sand.u32 $0x70, s10;
	s0 =	simm.s32 $0xE20;
	v1 =	vadd.s32 v1, v2  }
.LBB2_18:
0x107: {  	p0 =	sne.s32 s0, $0xFF0;
	s2 =	sor.u32 s2, s8;
	[tilespmem:s30+$0x0] =	vst v1  }
0x108: {  	v1 =	vld [tilespmem:s2+$0x0]  }
0x109: {  	v2 =	vld [tilespmem:s2+$0x80];
	_ =	sdelay $0x3  }
0x10a: {  	v3 =	vshrl.u32 v1, $0x3  }
.Ltmp8:
0x10b: {  	v3 =	vmul.u32 $0xF8, v3;
	v4 =	vshrl.u32 v2, $0x7;
	(pc) =	sbr.rel @p0 .LBB2_18-.Ltmp8, $4  }
0x10c: {  	v4 =	vmul.u32 $0x380, v4  }
0x10d: {  	v1 =	vadd.s32 v1, v3  }
0x10e: {  	s31 =	sadd.s32 $0x20, s31;
	s30 =	sadd.s32 $0x10, s30;
	v1 =	vshll.u32 v1, $0x7;
	v2 =	vadd.s32 v2, v4  }
0x10f: {  	s8 =	sand.u32 $0x1F00, s31;
	s2 =	sand.u32 $0x70, s0;
	s0 =	sadd.s32 $0x10, s0;
	v1 =	vadd.s32 v1, v2  }
0x110: {  	s0 =	sor.u32 s2, s8;
	[tilespmem:s30+$0x0] =	vst v1  }
0x111: {  	v1 =	vld [tilespmem:s0+$0x0]  }
0x112: {  	v2 =	vld [tilespmem:s0+$0x80];
	_ =	sdelay $0x3  }
0x113: {  	v3 =	vshrl.u32 v1, $0x3  }
0x114: {  	v4 =	vshrl.u32 v2, $0x7;
	v3 =	vmul.u32 $0xF8, v3  }
0x115: {  	v4 =	vmul.u32 $0x380, v4  }
0x116: {  	v1 =	vadd.s32 v1, v3  }
0x117: {  	v2 =	vadd.s32 v2, v4;
	v1 =	vshll.u32 v1, $0x7  }
0x118: {  	s2 =	sadd.s32 $0x10, s30;
	v1 =	vadd.s32 v1, v2  }
0x119: {  	s8 =	simm.s32 $0x6E00;
	s10 =	simm.s32 $0x8E00;
	[tilespmem:s2+$0x0] =	vst v1  }
0x11a: {  	[tilespmem:s10], [sflag:$0x3] =	stream.indirect.gather [hbm4b:s1+s12], $0x1, s8, s12, $0xb8;
	[tilespmem:$0xB000] =	vst v63  }
0x11b: {  	s2 =	simm.s32 $0x1000;
	s8 =	simm.s32 $0x2000  }
0x11c: {  	s0 =	sand.u32 $0x70, s2;
	s2 =	sand.u32 $0x3F00, s8  }
0x11d: {  	s0 =	sor.u32 s0, s2  }
0x11e: {  	v1 =	vld [tilespmem:s0+$0x0]  }
0x11f: {  	v2 =	vld [tilespmem:s0+$0x80];
	_ =	sdelay $0x3  }
0x120: {  	v3 =	vshrl.u32 v1, $0x3  }
0x121: {  	v63 =	vshrl.u32 v2, $0x7;
	v3 =	vmul.u32 $0xF8, v3  }
0x122: {  	v4 =	vmul.u32 $0x380, v63  }
0x123: {  	v1 =	vadd.s32 v1, v3  }
0x124: {  	s30 =	simm.s32 $0x7000;
	s31 =	simm.s32 $0x2020;
	s10 =	simm.s32 $0x1010;
	v2 =	vadd.s32 v2, v4;
	v1 =	vshll.u32 v1, $0x7  }
0x125: {  	s8 =	sand.u32 $0x3F00, s31;
	s2 =	sand.u32 $0x70, s10;
	s0 =	simm.s32 $0x1020;
	v1 =	vadd.s32 v1, v2  }
.LBB2_20:
0x126: {  	p0 =	sne.s32 s0, $0x11F0;
	s2 =	sor.u32 s2, s8;
	[tilespmem:s30+$0x0] =	vst v1  }
0x127: {  	v1 =	vld [tilespmem:s2+$0x0]  }
0x128: {  	v2 =	vld [tilespmem:s2+$0x80];
	_ =	sdelay $0x3  }
0x129: {  	v3 =	vshrl.u32 v1, $0x3  }
.Ltmp9:
0x12a: {  	v3 =	vmul.u32 $0xF8, v3;
	v4 =	vshrl.u32 v2, $0x7;
	(pc) =	sbr.rel @p0 .LBB2_20-.Ltmp9, $4  }
0x12b: {  	v4 =	vmul.u32 $0x380, v4  }
0x12c: {  	v1 =	vadd.s32 v1, v3  }
0x12d: {  	s31 =	sadd.s32 $0x20, s31;
	s30 =	sadd.s32 $0x10, s30;
	v1 =	vshll.u32 v1, $0x7;
	v2 =	vadd.s32 v2, v4  }
0x12e: {  	s8 =	sand.u32 $0x3F00, s31;
	s2 =	sand.u32 $0x70, s0;
	s0 =	sadd.s32 $0x10, s0;
	v1 =	vadd.s32 v1, v2  }
0x12f: {  	s0 =	sor.u32 s2, s8;
	[tilespmem:s30+$0x0] =	vst v1  }
0x130: {  	v1 =	vld [tilespmem:s0+$0x0]  }
0x131: {  	v2 =	vld [tilespmem:s0+$0x80];
	_ =	sdelay $0x3  }
0x132: {  	v3 =	vshrl.u32 v1, $0x3  }
0x133: {  	v4 =	vshrl.u32 v2, $0x7;
	v3 =	vmul.u32 $0xF8, v3  }
0x134: {  	v4 =	vmul.u32 $0x380, v4  }
0x135: {  	v1 =	vadd.s32 v1, v3  }
0x136: {  	v2 =	vadd.s32 v2, v4;
	v1 =	vshll.u32 v1, $0x7  }
0x137: {  	s2 =	sadd.s32 $0x10, s30;
	v1 =	vadd.s32 v1, v2  }
0x138: {  	s8 =	simm.s32 $0x7000;
	s10 =	simm.s32 $0x9000;
	[tilespmem:s2+$0x0] =	vst v1  }
0x139: {  	[tilespmem:s10], [sflag:$0x4] =	stream.indirect.gather [hbm4b:s1+s12], $0x1, s8, s12, $0xb8;
	[tilespmem:$0xB000] =	vst v63  }
0x13a: {  	s2 =	simm.s32 $0x1200;
	s8 =	simm.s32 $0x2400  }
0x13b: {  	s0 =	sand.u32 $0x70, s2;
	s2 =	sand.u32 $0x3F00, s8  }
0x13c: {  	s0 =	sor.u32 s0, s2  }
0x13d: {  	v1 =	vld [tilespmem:s0+$0x0]  }
0x13e: {  	v2 =	vld [tilespmem:s0+$0x80];
	_ =	sdelay $0x3  }
0x13f: {  	v3 =	vshrl.u32 v1, $0x3  }
0x140: {  	v63 =	vshrl.u32 v2, $0x7;
	v3 =	vmul.u32 $0xF8, v3  }
0x141: {  	v4 =	vmul.u32 $0x380, v63  }
0x142: {  	v1 =	vadd.s32 v1, v3  }
0x143: {  	s30 =	simm.s32 $0x7200;
	s31 =	simm.s32 $0x2420;
	s10 =	simm.s32 $0x1210;
	v2 =	vadd.s32 v2, v4;
	v1 =	vshll.u32 v1, $0x7  }
0x144: {  	s8 =	sand.u32 $0x3F00, s31;
	s2 =	sand.u32 $0x70, s10;
	s0 =	simm.s32 $0x1220;
	v1 =	vadd.s32 v1, v2  }
.LBB2_22:
0x145: {  	p0 =	sne.s32 s0, $0x13F0;
	s2 =	sor.u32 s2, s8;
	[tilespmem:s30+$0x0] =	vst v1  }
0x146: {  	v1 =	vld [tilespmem:s2+$0x0]  }
0x147: {  	v2 =	vld [tilespmem:s2+$0x80];
	_ =	sdelay $0x3  }
0x148: {  	v3 =	vshrl.u32 v1, $0x3  }
.Ltmp10:
0x149: {  	v3 =	vmul.u32 $0xF8, v3;
	v4 =	vshrl.u32 v2, $0x7;
	(pc) =	sbr.rel @p0 .LBB2_22-.Ltmp10, $4  }
0x14a: {  	v4 =	vmul.u32 $0x380, v4  }
0x14b: {  	v1 =	vadd.s32 v1, v3  }
0x14c: {  	s31 =	sadd.s32 $0x20, s31;
	s30 =	sadd.s32 $0x10, s30;
	v1 =	vshll.u32 v1, $0x7;
	v2 =	vadd.s32 v2, v4  }
0x14d: {  	s8 =	sand.u32 $0x3F00, s31;
	s2 =	sand.u32 $0x70, s0;
	s0 =	sadd.s32 $0x10, s0;
	v1 =	vadd.s32 v1, v2  }
0x14e: {  	s0 =	sor.u32 s2, s8;
	[tilespmem:s30+$0x0] =	vst v1  }
0x14f: {  	v1 =	vld [tilespmem:s0+$0x0]  }
0x150: {  	v2 =	vld [tilespmem:s0+$0x80];
	_ =	sdelay $0x3  }
0x151: {  	v3 =	vshrl.u32 v1, $0x3  }
0x152: {  	v4 =	vshrl.u32 v2, $0x7;
	v3 =	vmul.u32 $0xF8, v3  }
0x153: {  	v4 =	vmul.u32 $0x380, v4  }
0x154: {  	v1 =	vadd.s32 v1, v3  }
0x155: {  	v2 =	vadd.s32 v2, v4;
	v1 =	vshll.u32 v1, $0x7  }
0x156: {  	s2 =	sadd.s32 $0x10, s30;
	v1 =	vadd.s32 v1, v2  }
0x157: {  	s8 =	simm.s32 $0x7200;
	s10 =	simm.s32 $0x9200;
	[tilespmem:s2+$0x0] =	vst v1  }
0x158: {  	[tilespmem:s10], [sflag:$0x4] =	stream.indirect.gather [hbm4b:s1+s12], $0x1, s8, s12, $0xb8;
	[tilespmem:$0xB000] =	vst v63  }
0x159: {  	s2 =	simm.s32 $0x1400;
	s8 =	simm.s32 $0x2800  }
0x15a: {  	s0 =	sand.u32 $0x70, s2;
	s2 =	sand.u32 $0x3F00, s8  }
0x15b: {  	s0 =	sor.u32 s0, s2  }
0x15c: {  	v1 =	vld [tilespmem:s0+$0x0]  }
0x15d: {  	v2 =	vld [tilespmem:s0+$0x80];
	_ =	sdelay $0x3  }
0x15e: {  	v3 =	vshrl.u32 v1, $0x3  }
0x15f: {  	v63 =	vshrl.u32 v2, $0x7;
	v3 =	vmul.u32 $0xF8, v3  }
0x160: {  	v4 =	vmul.u32 $0x380, v63  }
0x161: {  	v1 =	vadd.s32 v1, v3  }
0x162: {  	s30 =	simm.s32 $0x7400;
	s31 =	simm.s32 $0x2820;
	s10 =	simm.s32 $0x1410;
	v2 =	vadd.s32 v2, v4;
	v1 =	vshll.u32 v1, $0x7  }
0x163: {  	s8 =	sand.u32 $0x3F00, s31;
	s2 =	sand.u32 $0x70, s10;
	s0 =	simm.s32 $0x1420;
	v1 =	vadd.s32 v1, v2  }
.LBB2_24:
0x164: {  	p0 =	sne.s32 s0, $0x15F0;
	s2 =	sor.u32 s2, s8;
	[tilespmem:s30+$0x0] =	vst v1  }
0x165: {  	v1 =	vld [tilespmem:s2+$0x0]  }
0x166: {  	v2 =	vld [tilespmem:s2+$0x80];
	_ =	sdelay $0x3  }
0x167: {  	v3 =	vshrl.u32 v1, $0x3  }
.Ltmp11:
0x168: {  	v3 =	vmul.u32 $0xF8, v3;
	v4 =	vshrl.u32 v2, $0x7;
	(pc) =	sbr.rel @p0 .LBB2_24-.Ltmp11, $4  }
0x169: {  	v4 =	vmul.u32 $0x380, v4  }
0x16a: {  	v1 =	vadd.s32 v1, v3  }
0x16b: {  	s31 =	sadd.s32 $0x20, s31;
	s30 =	sadd.s32 $0x10, s30;
	v1 =	vshll.u32 v1, $0x7;
	v2 =	vadd.s32 v2, v4  }
0x16c: {  	s8 =	sand.u32 $0x3F00, s31;
	s2 =	sand.u32 $0x70, s0;
	s0 =	sadd.s32 $0x10, s0;
	v1 =	vadd.s32 v1, v2  }
0x16d: {  	s0 =	sor.u32 s2, s8;
	[tilespmem:s30+$0x0] =	vst v1  }
0x16e: {  	v1 =	vld [tilespmem:s0+$0x0]  }
0x16f: {  	v2 =	vld [tilespmem:s0+$0x80];
	_ =	sdelay $0x3  }
0x170: {  	v3 =	vshrl.u32 v1, $0x3  }
0x171: {  	v4 =	vshrl.u32 v2, $0x7;
	v3 =	vmul.u32 $0xF8, v3  }
0x172: {  	v4 =	vmul.u32 $0x380, v4  }
0x173: {  	v1 =	vadd.s32 v1, v3  }
0x174: {  	v2 =	vadd.s32 v2, v4;
	v1 =	vshll.u32 v1, $0x7  }
0x175: {  	s2 =	sadd.s32 $0x10, s30;
	v1 =	vadd.s32 v1, v2  }
0x176: {  	s8 =	simm.s32 $0x7400;
	s10 =	simm.s32 $0x9400;
	[tilespmem:s2+$0x0] =	vst v1  }
0x177: {  	[tilespmem:s10], [sflag:$0x4] =	stream.indirect.gather [hbm4b:s1+s12], $0x1, s8, s12, $0xb8;
	[tilespmem:$0xB000] =	vst v63  }
0x178: {  	s2 =	simm.s32 $0x1600;
	s8 =	simm.s32 $0x2C00  }
0x179: {  	s0 =	sand.u32 $0x70, s2;
	s2 =	sand.u32 $0x3F00, s8  }
0x17a: {  	s0 =	sor.u32 s0, s2  }
0x17b: {  	v1 =	vld [tilespmem:s0+$0x0]  }
0x17c: {  	v2 =	vld [tilespmem:s0+$0x80];
	_ =	sdelay $0x3  }
0x17d: {  	v3 =	vshrl.u32 v1, $0x3  }
0x17e: {  	v63 =	vshrl.u32 v2, $0x7;
	v3 =	vmul.u32 $0xF8, v3  }
0x17f: {  	v4 =	vmul.u32 $0x380, v63  }
0x180: {  	v1 =	vadd.s32 v1, v3  }
0x181: {  	s30 =	simm.s32 $0x7600;
	s31 =	simm.s32 $0x2C20;
	s10 =	simm.s32 $0x1610;
	v2 =	vadd.s32 v2, v4;
	v1 =	vshll.u32 v1, $0x7  }
0x182: {  	s8 =	sand.u32 $0x3F00, s31;
	s2 =	sand.u32 $0x70, s10;
	s0 =	simm.s32 $0x1620;
	v1 =	vadd.s32 v1, v2  }
.LBB2_26:
0x183: {  	p0 =	sne.s32 s0, $0x17F0;
	s2 =	sor.u32 s2, s8;
	[tilespmem:s30+$0x0] =	vst v1  }
0x184: {  	v1 =	vld [tilespmem:s2+$0x0]  }
0x185: {  	v2 =	vld [tilespmem:s2+$0x80];
	_ =	sdelay $0x3  }
0x186: {  	v3 =	vshrl.u32 v1, $0x3  }
.Ltmp12:
0x187: {  	v3 =	vmul.u32 $0xF8, v3;
	v4 =	vshrl.u32 v2, $0x7;
	(pc) =	sbr.rel @p0 .LBB2_26-.Ltmp12, $4  }
0x188: {  	v4 =	vmul.u32 $0x380, v4  }
0x189: {  	v1 =	vadd.s32 v1, v3  }
0x18a: {  	s31 =	sadd.s32 $0x20, s31;
	s30 =	sadd.s32 $0x10, s30;
	v1 =	vshll.u32 v1, $0x7;
	v2 =	vadd.s32 v2, v4  }
0x18b: {  	s8 =	sand.u32 $0x3F00, s31;
	s2 =	sand.u32 $0x70, s0;
	s0 =	sadd.s32 $0x10, s0;
	v1 =	vadd.s32 v1, v2  }
0x18c: {  	s0 =	sor.u32 s2, s8;
	[tilespmem:s30+$0x0] =	vst v1  }
0x18d: {  	v1 =	vld [tilespmem:s0+$0x0]  }
0x18e: {  	v2 =	vld [tilespmem:s0+$0x80];
	_ =	sdelay $0x3  }
0x18f: {  	v3 =	vshrl.u32 v1, $0x3  }
0x190: {  	v4 =	vshrl.u32 v2, $0x7;
	v3 =	vmul.u32 $0xF8, v3  }
0x191: {  	v4 =	vmul.u32 $0x380, v4  }
0x192: {  	v1 =	vadd.s32 v1, v3  }
0x193: {  	v2 =	vadd.s32 v2, v4;
	v1 =	vshll.u32 v1, $0x7  }
0x194: {  	s2 =	sadd.s32 $0x10, s30;
	v1 =	vadd.s32 v1, v2  }
0x195: {  	s8 =	simm.s32 $0x7600;
	s10 =	simm.s32 $0x9600;
	[tilespmem:s2+$0x0] =	vst v1  }
0x196: {  	[tilespmem:s10], [sflag:$0x4] =	stream.indirect.gather [hbm4b:s1+s12], $0x1, s8, s12, $0xb8;
	[tilespmem:$0xB000] =	vst v63  }
0x197: {  	s2 =	simm.s32 $0x1800;
	s8 =	simm.s32 $0x3000  }
0x198: {  	s0 =	sand.u32 $0x70, s2;
	s2 =	sand.u32 $0x3F00, s8  }
0x199: {  	s0 =	sor.u32 s0, s2  }
0x19a: {  	v1 =	vld [tilespmem:s0+$0x0]  }
0x19b: {  	v2 =	vld [tilespmem:s0+$0x80];
	_ =	sdelay $0x3  }
0x19c: {  	v3 =	vshrl.u32 v1, $0x3  }
0x19d: {  	v63 =	vshrl.u32 v2, $0x7;
	v3 =	vmul.u32 $0xF8, v3  }
0x19e: {  	v4 =	vmul.u32 $0x380, v63  }
0x19f: {  	v1 =	vadd.s32 v1, v3  }
0x1a0: {  	s30 =	simm.s32 $0x7800;
	s31 =	simm.s32 $0x3020;
	s10 =	simm.s32 $0x1810;
	v2 =	vadd.s32 v2, v4;
	v1 =	vshll.u32 v1, $0x7  }
0x1a1: {  	s8 =	sand.u32 $0x3F00, s31;
	s2 =	sand.u32 $0x70, s10;
	s0 =	simm.s32 $0x1820;
	v1 =	vadd.s32 v1, v2  }
.LBB2_28:
0x1a2: {  	p0 =	sne.s32 s0, $0x19F0;
	s2 =	sor.u32 s2, s8;
	[tilespmem:s30+$0x0] =	vst v1  }
0x1a3: {  	v1 =	vld [tilespmem:s2+$0x0]  }
0x1a4: {  	v2 =	vld [tilespmem:s2+$0x80];
	_ =	sdelay $0x3  }
0x1a5: {  	v3 =	vshrl.u32 v1, $0x3  }
.Ltmp13:
0x1a6: {  	v3 =	vmul.u32 $0xF8, v3;
	v4 =	vshrl.u32 v2, $0x7;
	(pc) =	sbr.rel @p0 .LBB2_28-.Ltmp13, $4  }
0x1a7: {  	v4 =	vmul.u32 $0x380, v4  }
0x1a8: {  	v1 =	vadd.s32 v1, v3  }
0x1a9: {  	s31 =	sadd.s32 $0x20, s31;
	s30 =	sadd.s32 $0x10, s30;
	v1 =	vshll.u32 v1, $0x7;
	v2 =	vadd.s32 v2, v4  }
0x1aa: {  	s8 =	sand.u32 $0x3F00, s31;
	s2 =	sand.u32 $0x70, s0;
	s0 =	sadd.s32 $0x10, s0;
	v1 =	vadd.s32 v1, v2  }
0x1ab: {  	s0 =	sor.u32 s2, s8;
	[tilespmem:s30+$0x0] =	vst v1  }
0x1ac: {  	v1 =	vld [tilespmem:s0+$0x0]  }
0x1ad: {  	v2 =	vld [tilespmem:s0+$0x80];
	_ =	sdelay $0x3  }
0x1ae: {  	v3 =	vshrl.u32 v1, $0x3  }
0x1af: {  	v4 =	vshrl.u32 v2, $0x7;
	v3 =	vmul.u32 $0xF8, v3  }
0x1b0: {  	v4 =	vmul.u32 $0x380, v4  }
0x1b1: {  	v1 =	vadd.s32 v1, v3  }
0x1b2: {  	s2 =	simm.s32 $0x1A00;
	s8 =	simm.s32 $0x3400;
	v2 =	vadd.s32 v2, v4;
	v1 =	vshll.u32 v1, $0x7  }
0x1b3: {  	s10 =	sadd.s32 $0x10, s30;
	s0 =	sand.u32 $0x70, s2;
	s2 =	sand.u32 $0x3F00, s8;
	v1 =	vadd.s32 v1, v2  }
0x1b4: {  	s0 =	sor.u32 s0, s2;
	[tilespmem:s10+$0x0] =	vst v1  }
0x1b5: {  	[tilespmem:s13], [sflag:$0x5] =	stream.indirect.gather [hbm4b:s1+s12], $0x1, s11, s12, $0xb8;
	[tilespmem:$0xB000] =	vst v63  }
0x1b6: {  	v1 =	vld [tilespmem:s0+$0x0]  }
0x1b7: {  	v2 =	vld [tilespmem:s0+$0x80];
	_ =	sdelay $0x3  }
0x1b8: {  	v3 =	vshrl.u32 v1, $0x3  }
0x1b9: {  	v63 =	vshrl.u32 v2, $0x7;
	v3 =	vmul.u32 $0xF8, v3  }
0x1ba: {  	v4 =	vmul.u32 $0x380, v63  }
0x1bb: {  	v1 =	vadd.s32 v1, v3  }
0x1bc: {  	s30 =	simm.s32 $0x7A00;
	s31 =	simm.s32 $0x3420;
	s10 =	simm.s32 $0x1A10;
	v2 =	vadd.s32 v2, v4;
	v1 =	vshll.u32 v1, $0x7  }
0x1bd: {  	s8 =	sand.u32 $0x3F00, s31;
	s2 =	sand.u32 $0x70, s10;
	s0 =	simm.s32 $0x1A20;
	v1 =	vadd.s32 v1, v2  }
.LBB2_30:
0x1be: {  	p0 =	sne.s32 s0, $0x1BF0;
	s2 =	sor.u32 s2, s8;
	[tilespmem:s30+$0x0] =	vst v1  }
0x1bf: {  	v1 =	vld [tilespmem:s2+$0x0]  }
0x1c0: {  	v2 =	vld [tilespmem:s2+$0x80];
	_ =	sdelay $0x3  }
0x1c1: {  	v3 =	vshrl.u32 v1, $0x3  }
.Ltmp14:
0x1c2: {  	v3 =	vmul.u32 $0xF8, v3;
	v4 =	vshrl.u32 v2, $0x7;
	(pc) =	sbr.rel @p0 .LBB2_30-.Ltmp14, $4  }
0x1c3: {  	v4 =	vmul.u32 $0x380, v4  }
0x1c4: {  	v1 =	vadd.s32 v1, v3  }
0x1c5: {  	s31 =	sadd.s32 $0x20, s31;
	s30 =	sadd.s32 $0x10, s30;
	v1 =	vshll.u32 v1, $0x7;
	v2 =	vadd.s32 v2, v4  }
0x1c6: {  	s8 =	sand.u32 $0x3F00, s31;
	s2 =	sand.u32 $0x70, s0;
	s0 =	sadd.s32 $0x10, s0;
	v1 =	vadd.s32 v1, v2  }
0x1c7: {  	s0 =	sor.u32 s2, s8;
	[tilespmem:s30+$0x0] =	vst v1  }
0x1c8: {  	v1 =	vld [tilespmem:s0+$0x0]  }
0x1c9: {  	v2 =	vld [tilespmem:s0+$0x80];
	_ =	sdelay $0x3  }
0x1ca: {  	v3 =	vshrl.u32 v1, $0x3  }
0x1cb: {  	v4 =	vshrl.u32 v2, $0x7;
	v3 =	vmul.u32 $0xF8, v3  }
0x1cc: {  	v4 =	vmul.u32 $0x380, v4  }
0x1cd: {  	v1 =	vadd.s32 v1, v3  }
0x1ce: {  	s2 =	simm.s32 $0x1C00;
	s8 =	simm.s32 $0x3800;
	v2 =	vadd.s32 v2, v4;
	v1 =	vshll.u32 v1, $0x7  }
0x1cf: {  	s10 =	sadd.s32 $0x10, s30;
	s0 =	sand.u32 $0x70, s2;
	s2 =	sand.u32 $0x3F00, s8;
	v1 =	vadd.s32 v1, v2  }
0x1d0: {  	s0 =	sor.u32 s0, s2;
	[tilespmem:s10+$0x0] =	vst v1  }
0x1d1: {  	[tilespmem:s15], [sflag:$0x5] =	stream.indirect.gather [hbm4b:s1+s12], $0x1, s14, s12, $0xb8;
	[tilespmem:$0xB000] =	vst v63  }
0x1d2: {  	v1 =	vld [tilespmem:s0+$0x0]  }
0x1d3: {  	v2 =	vld [tilespmem:s0+$0x80];
	_ =	sdelay $0x3  }
0x1d4: {  	v3 =	vshrl.u32 v1, $0x3  }
0x1d5: {  	v63 =	vshrl.u32 v2, $0x7;
	v3 =	vmul.u32 $0xF8, v3  }
0x1d6: {  	v4 =	vmul.u32 $0x380, v63  }
0x1d7: {  	v1 =	vadd.s32 v1, v3  }
0x1d8: {  	s30 =	simm.s32 $0x7C00;
	s31 =	simm.s32 $0x3820;
	s10 =	simm.s32 $0x1C10;
	v2 =	vadd.s32 v2, v4;
	v1 =	vshll.u32 v1, $0x7  }
0x1d9: {  	s8 =	sand.u32 $0x3F00, s31;
	s2 =	sand.u32 $0x70, s10;
	s0 =	simm.s32 $0x1C20;
	v1 =	vadd.s32 v1, v2  }
.LBB2_32:
0x1da: {  	p0 =	sne.s32 s0, $0x1DF0;
	s2 =	sor.u32 s2, s8;
	[tilespmem:s30+$0x0] =	vst v1  }
0x1db: {  	v1 =	vld [tilespmem:s2+$0x0]  }
0x1dc: {  	v2 =	vld [tilespmem:s2+$0x80];
	_ =	sdelay $0x3  }
0x1dd: {  	v3 =	vshrl.u32 v1, $0x3  }
.Ltmp15:
0x1de: {  	v3 =	vmul.u32 $0xF8, v3;
	v4 =	vshrl.u32 v2, $0x7;
	(pc) =	sbr.rel @p0 .LBB2_32-.Ltmp15, $4  }
0x1df: {  	v4 =	vmul.u32 $0x380, v4  }
0x1e0: {  	v1 =	vadd.s32 v1, v3  }
0x1e1: {  	s31 =	sadd.s32 $0x20, s31;
	s30 =	sadd.s32 $0x10, s30;
	v1 =	vshll.u32 v1, $0x7;
	v2 =	vadd.s32 v2, v4  }
0x1e2: {  	s8 =	sand.u32 $0x3F00, s31;
	s2 =	sand.u32 $0x70, s0;
	s0 =	sadd.s32 $0x10, s0;
	v1 =	vadd.s32 v1, v2  }
0x1e3: {  	s0 =	sor.u32 s2, s8;
	[tilespmem:s30+$0x0] =	vst v1  }
0x1e4: {  	v1 =	vld [tilespmem:s0+$0x0]  }
0x1e5: {  	v2 =	vld [tilespmem:s0+$0x80];
	_ =	sdelay $0x3  }
0x1e6: {  	v3 =	vshrl.u32 v1, $0x3  }
0x1e7: {  	v4 =	vshrl.u32 v2, $0x7;
	v3 =	vmul.u32 $0xF8, v3  }
0x1e8: {  	v4 =	vmul.u32 $0x380, v4  }
0x1e9: {  	v1 =	vadd.s32 v1, v3  }
0x1ea: {  	s2 =	simm.s32 $0x1E00;
	s8 =	simm.s32 $0x3C00;
	v2 =	vadd.s32 v2, v4;
	v1 =	vshll.u32 v1, $0x7  }
0x1eb: {  	s10 =	sadd.s32 $0x10, s30;
	s0 =	sand.u32 $0x70, s2;
	s2 =	sand.u32 $0x3F00, s8;
	v1 =	vadd.s32 v1, v2  }
0x1ec: {  	s0 =	sor.u32 s0, s2;
	[tilespmem:s10+$0x0] =	vst v1  }
0x1ed: {  	[tilespmem:s17], [sflag:$0x5] =	stream.indirect.gather [hbm4b:s1+s12], $0x1, s16, s12, $0xb8;
	[tilespmem:$0xB000] =	vst v63  }
0x1ee: {  	v1 =	vld [tilespmem:s0+$0x0]  }
0x1ef: {  	v2 =	vld [tilespmem:s0+$0x80];
	_ =	sdelay $0x3  }
0x1f0: {  	v3 =	vshrl.u32 v1, $0x3  }
0x1f1: {  	v63 =	vshrl.u32 v2, $0x7;
	v3 =	vmul.u32 $0xF8, v3  }
0x1f2: {  	v4 =	vmul.u32 $0x380, v63  }
0x1f3: {  	v1 =	vadd.s32 v1, v3  }
0x1f4: {  	s30 =	simm.s32 $0x7E00;
	s31 =	simm.s32 $0x3C20;
	s10 =	simm.s32 $0x1E10;
	v2 =	vadd.s32 v2, v4;
	v1 =	vshll.u32 v1, $0x7  }
0x1f5: {  	s8 =	sand.u32 $0x3F00, s31;
	s2 =	sand.u32 $0x70, s10;
	s0 =	simm.s32 $0x1E20;
	v1 =	vadd.s32 v1, v2  }
.LBB2_34:
0x1f6: {  	p0 =	sne.s32 s0, $0x1FF0;
	s2 =	sor.u32 s2, s8;
	[tilespmem:s30+$0x0] =	vst v1  }
0x1f7: {  	v1 =	vld [tilespmem:s2+$0x0]  }
0x1f8: {  	v2 =	vld [tilespmem:s2+$0x80];
	_ =	sdelay $0x3  }
0x1f9: {  	v3 =	vshrl.u32 v1, $0x3  }
.Ltmp16:
0x1fa: {  	v3 =	vmul.u32 $0xF8, v3;
	v4 =	vshrl.u32 v2, $0x7;
	(pc) =	sbr.rel @p0 .LBB2_34-.Ltmp16, $4  }
0x1fb: {  	v4 =	vmul.u32 $0x380, v4  }
0x1fc: {  	v1 =	vadd.s32 v1, v3  }
0x1fd: {  	s31 =	sadd.s32 $0x20, s31;
	s30 =	sadd.s32 $0x10, s30;
	v1 =	vshll.u32 v1, $0x7;
	v2 =	vadd.s32 v2, v4  }
0x1fe: {  	s8 =	sand.u32 $0x3F00, s31;
	s2 =	sand.u32 $0x70, s0;
	s0 =	sadd.s32 $0x10, s0;
	v1 =	vadd.s32 v1, v2  }
0x1ff: {  	s0 =	sor.u32 s2, s8;
	[tilespmem:s30+$0x0] =	vst v1  }
0x200: {  	v1 =	vld [tilespmem:s0+$0x0]  }
0x201: {  	v2 =	vld [tilespmem:s0+$0x80];
	_ =	sdelay $0x3  }
0x202: {  	v3 =	vshrl.u32 v1, $0x3  }
0x203: {  	v4 =	vshrl.u32 v2, $0x7;
	v3 =	vmul.u32 $0xF8, v3  }
0x204: {  	v4 =	vmul.u32 $0x380, v4  }
0x205: {  	v1 =	vadd.s32 v1, v3  }
0x206: {  	v2 =	vadd.s32 v2, v4;
	v1 =	vshll.u32 v1, $0x7  }
0x207: {  	s2 =	sadd.s32 $0x10, s30;
	v1 =	vadd.s32 v1, v2  }
0x208: {  	[tilespmem:s2+$0x0] =	vst v1  }
0x209: {  	[tilespmem:s19], [sflag:$0x5] =	stream.indirect.gather [hbm4b:s1+s12], $0x1, s18, s12, $0xb8;
	[tilespmem:$0xB000] =	vst v63  }
0x20a: {  	_ =	swait.ge [sflag:s20], $0x200  }
0x20b: {  	[sflag:s20] =	ssyncset.done $0x0  }
0x20c: {  	[sflag:s20] =	ssyncadd.s32 $0xFFFFFE00  }
0x20d: {  	_ =	swait.ge [sflag:s20], $0x200  }
0x20e: {  	[sflag:s20] =	ssyncset.done $0x0  }
0x20f: {  	[sflag:s20] =	ssyncadd.s32 $0xFFFFFE00  }
0x210: {  	_ =	swait.ge [sflag:s20], $0x200  }
0x211: {  	[sflag:s20] =	ssyncset.done $0x0  }
0x212: {  	[sflag:s20] =	ssyncadd.s32 $0xFFFFFE00  }
0x213: {  	s8 =	simm.s32 $0x0;
	_ =	swait.ge [sflag:s20], $0x200  }
0x214: {  	s10 =	sand.u32 $0x70, s8;
	s0 =	sand.u32 $0xF00, s8;
	[sflag:s20] =	ssyncset.done $0x0  }
0x215: {  	s0 =	sor.u32 s10, s0;
	[sflag:s20] =	ssyncadd.s32 $0xFFFFFE00  }
0x216: {  	s30 =	simm.s32 $0x8000;
	v1 =	vld [tilespmem:s0+$0x0]  }
0x217: {  	s31 =	simm.s32 $0x4000;
	v2 =	vld [tilespmem:s30+$0x0]  }
0x218: {  	v3 =	vld [tilespmem:s31+$0x0];
	_ =	sdelay $0x4  }
0x219: {  	s8 =	simm.s32 $0x10;
	s0 =	simm.s32 $0x20;
	v2 =	vmul.f32 v3, v2  }
0x21a: {  	s2 =	sand.u32 $0x70, s8;
	s10 =	sand.u32 $0xF00, s0  }
0x21b: {  	s8 =	sor.u32 s2, s10;
	s2 =	simm.s32 $0x20;
	[tilespmem:v1+s21+$0x0] =	vst.idx.add.f32.msk $0xffff, v2  }
.LBB2_36:
0x21c: {  	p0 =	sne.s32 s2, $0x7F0;
	v1 =	vld [tilespmem:s8+$0x0];
	s30 =	sadd.s32 $0x10, s30  }
0x21d: {  	s31 =	sadd.s32 $0x10, s31;
	v2 =	vld [tilespmem:s30+$0x0]  }
0x21e: {  	v3 =	vld [tilespmem:s31+$0x0];
	_ =	sdelay $0x2  }
.Ltmp17:
0x21f: {  	(pc) =	sbr.rel @p0 .LBB2_36-.Ltmp17, $4  }
0x220: {  	_ = 	snop  }
0x221: {  	s0 =	sadd.s32 $0x20, s0;
	v2 =	vmul.f32 v3, v2  }
0x222: {  	s8 =	sand.u32 $0x70, s2;
	s10 =	sand.u32 $0xF00, s0  }
0x223: {  	s2 =	sadd.s32 $0x10, s2;
	s8 =	sor.u32 s8, s10;
	[tilespmem:v1+s21+$0x0] =	vst.idx.add.f32.msk $0xffff, v2  }
0x224: {  	v1 =	vld [tilespmem:s8+$0x0];
	s0 =	sadd.s32 $0x10, s30  }
0x225: {  	s8 =	sadd.s32 $0x10, s31;
	v2 =	vld [tilespmem:s0+$0x0]  }
0x226: {  	v3 =	vld [tilespmem:s8+$0x0];
	_ =	sdelay $0x4  }
0x227: {  	v2 =	vmul.f32 v3, v2;
	_ =	sdelay $0x1  }
0x228: {  	[tilespmem:v1+s21+$0x0] =	vst.idx.add.f32.msk $0xffff, v2  }
0x229: {  	_ =	swait.ge [sflag:s22], $0x200  }
0x22a: {  	[sflag:s22] =	ssyncset.done $0x0  }
0x22b: {  	[sflag:s22] =	ssyncadd.s32 $0xFFFFFE00  }
0x22c: {  	_ =	swait.ge [sflag:s22], $0x200  }
0x22d: {  	[sflag:s22] =	ssyncset.done $0x0  }
0x22e: {  	[sflag:s22] =	ssyncadd.s32 $0xFFFFFE00  }
0x22f: {  	_ =	swait.ge [sflag:s22], $0x200  }
0x230: {  	[sflag:s22] =	ssyncset.done $0x0  }
0x231: {  	[sflag:s22] =	ssyncadd.s32 $0xFFFFFE00  }
0x232: {  	s10 =	simm.s32 $0x1000;
	s2 =	simm.s32 $0x800;
	_ =	swait.ge [sflag:s22], $0x200  }
0x233: {  	s2 =	sand.u32 $0x70, s2;
	s0 =	sand.u32 $0x1F00, s10;
	[sflag:s22] =	ssyncset.done $0x0  }
0x234: {  	s0 =	sor.u32 s2, s0;
	[sflag:s22] =	ssyncadd.s32 $0xFFFFFE00  }
0x235: {  	s30 =	simm.s32 $0x8800;
	v1 =	vld [tilespmem:s0+$0x0]  }
0x236: {  	s31 =	simm.s32 $0x4800;
	v2 =	vld [tilespmem:s30+$0x0]  }
0x237: {  	v3 =	vld [tilespmem:s31+$0x0];
	_ =	sdelay $0x4  }
0x238: {  	s8 =	simm.s32 $0x1020;
	s0 =	simm.s32 $0x810;
	v2 =	vmul.f32 v3, v2  }
0x239: {  	s2 =	sand.u32 $0x1F00, s8;
	s10 =	sand.u32 $0x70, s0  }
0x23a: {  	s8 =	sor.u32 s10, s2;
	s2 =	simm.s32 $0x1040;
	[tilespmem:v1+s21+$0x0] =	vst.idx.add.f32.msk $0xffff, v2  }
.LBB2_38:
0x23b: {  	p0 =	sne.s32 s2, $0x1FE0;
	v1 =	vld [tilespmem:s8+$0x0];
	s30 =	sadd.s32 $0x10, s30  }
0x23c: {  	s31 =	sadd.s32 $0x10, s31;
	v2 =	vld [tilespmem:s30+$0x0]  }
0x23d: {  	v3 =	vld [tilespmem:s31+$0x0];
	_ =	sdelay $0x2  }
.Ltmp18:
0x23e: {  	(pc) =	sbr.rel @p0 .LBB2_38-.Ltmp18, $4  }
0x23f: {  	_ = 	snop  }
0x240: {  	s0 =	sadd.s32 $0x10, s0;
	v2 =	vmul.f32 v3, v2  }
0x241: {  	s10 =	sand.u32 $0x1F00, s2;
	s8 =	sand.u32 $0x70, s0  }
0x242: {  	s2 =	sadd.s32 $0x20, s2;
	s8 =	sor.u32 s8, s10;
	[tilespmem:v1+s21+$0x0] =	vst.idx.add.f32.msk $0xffff, v2  }
0x243: {  	v1 =	vld [tilespmem:s8+$0x0];
	s0 =	sadd.s32 $0x10, s30  }
0x244: {  	s8 =	sadd.s32 $0x10, s31;
	v2 =	vld [tilespmem:s0+$0x0]  }
0x245: {  	v3 =	vld [tilespmem:s8+$0x0];
	_ =	sdelay $0x4  }
0x246: {  	v2 =	vmul.f32 v3, v2;
	_ =	sdelay $0x1  }
0x247: {  	[tilespmem:v1+s21+$0x0] =	vst.idx.add.f32.msk $0xffff, v2  }
0x248: {  	_ =	swait.ge [sflag:s23], $0x200  }
0x249: {  	[sflag:s23] =	ssyncset.done $0x0  }
0x24a: {  	[sflag:s23] =	ssyncadd.s32 $0xFFFFFE00  }
0x24b: {  	_ =	swait.ge [sflag:s23], $0x200  }
0x24c: {  	[sflag:s23] =	ssyncset.done $0x0  }
0x24d: {  	[sflag:s23] =	ssyncadd.s32 $0xFFFFFE00  }
0x24e: {  	_ =	swait.ge [sflag:s23], $0x200  }
0x24f: {  	[sflag:s23] =	ssyncset.done $0x0  }
0x250: {  	[sflag:s23] =	ssyncadd.s32 $0xFFFFFE00  }
0x251: {  	s10 =	simm.s32 $0x1000;
	s2 =	simm.s32 $0x2000;
	_ =	swait.ge [sflag:s23], $0x200  }
0x252: {  	s0 =	sand.u32 $0x70, s10;
	s2 =	sand.u32 $0x3F00, s2;
	[sflag:s23] =	ssyncset.done $0x0  }
0x253: {  	s0 =	sor.u32 s0, s2;
	[sflag:s23] =	ssyncadd.s32 $0xFFFFFE00  }
0x254: {  	s30 =	simm.s32 $0x9000;
	v1 =	vld [tilespmem:s0+$0x0]  }
0x255: {  	s31 =	simm.s32 $0x5000;
	v2 =	vld [tilespmem:s30+$0x0]  }
0x256: {  	v3 =	vld [tilespmem:s31+$0x0];
	_ =	sdelay $0x4  }
0x257: {  	s8 =	simm.s32 $0x1010;
	s0 =	simm.s32 $0x2020;
	v2 =	vmul.f32 v3, v2  }
0x258: {  	s2 =	sand.u32 $0x70, s8;
	s10 =	sand.u32 $0x3F00, s0  }
0x259: {  	s8 =	sor.u32 s2, s10;
	s2 =	simm.s32 $0x1020;
	[tilespmem:v1+s21+$0x0] =	vst.idx.add.f32.msk $0xffff, v2  }
.LBB2_40:
0x25a: {  	p0 =	sne.s32 s2, $0x17F0;
	v1 =	vld [tilespmem:s8+$0x0];
	s30 =	sadd.s32 $0x10, s30  }
0x25b: {  	s31 =	sadd.s32 $0x10, s31;
	v2 =	vld [tilespmem:s30+$0x0]  }
0x25c: {  	v3 =	vld [tilespmem:s31+$0x0];
	_ =	sdelay $0x2  }
.Ltmp19:
0x25d: {  	(pc) =	sbr.rel @p0 .LBB2_40-.Ltmp19, $4  }
0x25e: {  	_ = 	snop  }
0x25f: {  	s0 =	sadd.s32 $0x20, s0;
	v2 =	vmul.f32 v3, v2  }
0x260: {  	s8 =	sand.u32 $0x70, s2;
	s10 =	sand.u32 $0x3F00, s0  }
0x261: {  	s2 =	sadd.s32 $0x10, s2;
	s8 =	sor.u32 s8, s10;
	[tilespmem:v1+s21+$0x0] =	vst.idx.add.f32.msk $0xffff, v2  }
0x262: {  	v1 =	vld [tilespmem:s8+$0x0];
	s0 =	sadd.s32 $0x10, s30  }
0x263: {  	s8 =	sadd.s32 $0x10, s31;
	v2 =	vld [tilespmem:s0+$0x0]  }
0x264: {  	v3 =	vld [tilespmem:s8+$0x0];
	_ =	sdelay $0x4  }
0x265: {  	v2 =	vmul.f32 v3, v2;
	_ =	sdelay $0x1  }
0x266: {  	[tilespmem:v1+s21+$0x0] =	vst.idx.add.f32.msk $0xffff, v2  }
0x267: {  	_ =	swait.ge [sflag:s24], $0x200  }
0x268: {  	[sflag:s24] =	ssyncset.done $0x0  }
0x269: {  	[sflag:s24] =	ssyncadd.s32 $0xFFFFFE00  }
0x26a: {  	_ =	swait.ge [sflag:s24], $0x200  }
0x26b: {  	[sflag:s24] =	ssyncset.done $0x0  }
0x26c: {  	[sflag:s24] =	ssyncadd.s32 $0xFFFFFE00  }
0x26d: {  	_ =	swait.ge [sflag:s24], $0x200  }
0x26e: {  	[sflag:s24] =	ssyncset.done $0x0  }
0x26f: {  	[sflag:s24] =	ssyncadd.s32 $0xFFFFFE00  }
0x270: {  	s10 =	simm.s32 $0x1800;
	s2 =	simm.s32 $0x3000;
	_ =	swait.ge [sflag:s24], $0x200  }
0x271: {  	s0 =	sand.u32 $0x70, s10;
	s2 =	sand.u32 $0x3F00, s2;
	[sflag:s24] =	ssyncset.done $0x0  }
0x272: {  	s0 =	sor.u32 s0, s2;
	[sflag:s24] =	ssyncadd.s32 $0xFFFFFE00  }
0x273: {  	s30 =	simm.s32 $0x9800;
	v1 =	vld [tilespmem:s0+$0x0]  }
0x274: {  	s31 =	simm.s32 $0x5800;
	v2 =	vld [tilespmem:s30+$0x0]  }
0x275: {  	v3 =	vld [tilespmem:s31+$0x0];
	_ =	sdelay $0x4  }
0x276: {  	s8 =	simm.s32 $0x1810;
	s0 =	simm.s32 $0x3020;
	v2 =	vmul.f32 v3, v2  }
0x277: {  	s2 =	sand.u32 $0x70, s8;
	s10 =	sand.u32 $0x3F00, s0  }
0x278: {  	s8 =	sor.u32 s2, s10;
	s2 =	simm.s32 $0x1820;
	[tilespmem:v1+s21+$0x0] =	vst.idx.add.f32.msk $0xffff, v2  }
.LBB2_42:
0x279: {  	p0 =	sne.s32 s2, $0x1FF0;
	v1 =	vld [tilespmem:s8+$0x0];
	s30 =	sadd.s32 $0x10, s30  }
0x27a: {  	s31 =	sadd.s32 $0x10, s31;
	v2 =	vld [tilespmem:s30+$0x0]  }
0x27b: {  	v3 =	vld [tilespmem:s31+$0x0];
	_ =	sdelay $0x2  }
.Ltmp20:
0x27c: {  	(pc) =	sbr.rel @p0 .LBB2_42-.Ltmp20, $4  }
0x27d: {  	_ = 	snop  }
0x27e: {  	s0 =	sadd.s32 $0x20, s0;
	v2 =	vmul.f32 v3, v2  }
0x27f: {  	s8 =	sand.u32 $0x70, s2;
	s10 =	sand.u32 $0x3F00, s0  }
0x280: {  	s2 =	sadd.s32 $0x10, s2;
	s8 =	sor.u32 s8, s10;
	[tilespmem:v1+s21+$0x0] =	vst.idx.add.f32.msk $0xffff, v2  }
0x281: {  	v1 =	vld [tilespmem:s8+$0x0];
	s0 =	sadd.s32 $0x10, s30  }
0x282: {  	s31 =	sadd.s32 $0x10, s31;
	v2 =	vld [tilespmem:s0+$0x0]  }
0x283: {  	v3 =	vld [tilespmem:s31+$0x0];
	_ =	sdelay $0x4  }
0x284: {  	s29 =	sadd.s32 $0x1, s29;
	v2 =	vmul.f32 v3, v2  }
0x285: {  	p0 =	sne.s32 s29, s7  }
.Ltmp21:
0x286: {  	[tilespmem:v1+s21+$0x0] =	vst.idx.add.f32.msk $0xffff, v2;
	(pc) =	sbr.rel @p0 .LBB2_1-.Ltmp21, $4  }
0x287: {  	[hbm4b:s6+s25] =	stream.strided.scatter [tilespmem:s21], [sflag:$0x6], $0x1000, s26, s25, $0x38;
	[tilespmem:$0xB000] =	vst v63  }
0x288: {  	_ =	swait.ge [sflag:s28], $0x1000  }
0x289: {  	[sflag:s28] =	ssyncset.done $0x0  }
0x28a: {  	[sflag:s28] =	ssyncadd.s32 $0xFFFFF000  }
0x28b: {  	_ =	sfence.sel $0x180000  }
0x28c: {  	[bflag:$0x0] =	sbarrier.arrive $0xFFFF  }
0x28d: {  	_ =	strace $0x90000047  }
0x28e: {  	s0 =	stileid.u32;
	[bflag:$0x2] =	sbarrier.arrive $0xFFFF  }
0x28f: {  	p0 =	sne.s32 s0, $0x0;
	s0 =	rddreg [dreg:$0x4]  }
0x290: {  	s0 =	sadd.s32 @!p0 $0x100000, s0  }
0x291: {  	[sflag:s0] =	ssyncadd.tile.s32 @!p0 $0x1;
	_ =	shalt  }
.Lfunc_end2:
_tile_overlayer_lowered:
.L_overlay_start_2:
0x292: {  	(tag) =	ssettag $0x2  }
0x293: {  	s0 =	rddreg [dreg:$0x0];
	s2 =	stileid.u32  }
0x294: {  	s1 =	rddreg [dreg:$0x1];
	p0 =	sne.s32 s2, $0x0  }
0x295: {  	s3 =	rddreg [dreg:$0x2];
	[bflag:$0x3] =	sbarrier.arrive $0xFFFF;
	s2 =	simm.s32 @!p0 $0x1C06  }
0x296: {  	[timem:s3], [sflag:s2] =	dma.local @!p0 [hbm:s0], s1  }
0x297: {  	s0 =	simm.s32 @!p0 $0x6  }
0x298: {  	_ =	swait.ge @!p0 [sflag:s0], s1  }
0x299: {  	s1 =	ssub.s32 @!p0 $0x0, s1;
	[sflag:s0] =	ssyncset.done @!p0 $0x0  }
0x29a: {  	[sflag:s0] =	ssyncadd.s32 @!p0 s1  }
0x29b: {  	[bflag:$0x3] =	sbarrier.arrive $0xFFFF  }
0x29c: {  	_ =	shalt  }

</sc_bundles>
